<compile_context>
chip_gen: v7x
topology: tpu7x:2x2x1
jax: 0.10.2.dev20260603
libtpu: 0.0.44.dev20260713+nightly
codegen_flags: <defaults>
</compile_context>

<pallas_src>
import jax
import jax.numpy as jnp
from jax.experimental import pallas as pl
from jax.experimental.pallas import tpu as pltpu
from jax.experimental.pallas import tpu_sc as plsc

_SHAPE = (64, 32, 32768)
_ROWS = _SHAPE[0] * _SHAPE[1]
_COLS = _SHAPE[2]
_LANES = 16
_BLK = 16384
_R_SC = 768
_R_TC = _ROWS - _R_SC
_TC_BLOCK = 64


def _sc_part(x2, w_vec, bv_vec):
    mesh = plsc.VectorSubcoreMesh(core_axis_name="c", subcore_axis_name="s")

    @pl.kernel(
        out_type=jax.ShapeDtypeStruct((_ROWS, _COLS), jnp.float32),
        mesh=mesh,
        scratch_types=[
            pltpu.VMEM((_LANES,), jnp.float32),
            pltpu.VMEM((_LANES,), jnp.float32),
        ],
    )
    def sck(w_hbm, bv_hbm, x_hbm, o_hbm, w_vmem, bv_vmem):
        pltpu.sync_copy(w_hbm, w_vmem)
        pltpu.sync_copy(bv_hbm, bv_vmem)
        wreg = w_vmem[...]
        breg = bv_vmem[...]

        def body(in_vmem, out_vmem):
            @plsc.parallel_loop(0, _BLK, step=_LANES, unroll=16)
            def _(i):
                xv = in_vmem[pl.ds(i, _LANES)]
                y = jnp.where(xv < breg, 0.0, xv * wreg)
                out_vmem[pl.ds(i, _LANES)] = jnp.minimum(y, 1.0)

        pltpu.emit_pipeline(
            body,
            grid=(_R_SC, _COLS // _BLK),
            in_specs=[pl.BlockSpec((None, _BLK), lambda i, j: (i, j))],
            out_specs=[pl.BlockSpec((None, _BLK), lambda i, j: (i, j))],
            core_axis_name=("c", "s"),
            dimension_semantics=(pltpu.PARALLEL, pltpu.PARALLEL),
        )(x_hbm, o_hbm)

    return sck(w_vec, bv_vec, x2)


def _tc_ew_kernel(alias_ref, winc_ref, wthr_ref, a_ref, b_ref, x_ref, o_ref):
    del alias_ref
    w = winc_ref[0, 0] * a_ref[0]
    bv = wthr_ref[0, 0] * b_ref[0]
    xv = x_ref[...]
    y = jnp.where(xv < bv, 0.0, xv * w)
    o_ref[...] = jnp.minimum(y, 1.0)


def _tc_part(partial_out, x2, w_inc, w_thr, a, b):
    return pl.pallas_call(
        _tc_ew_kernel,
        grid=(_R_TC // _TC_BLOCK,),
        in_specs=[
            pl.BlockSpec(memory_space=pl.ANY),
            pl.BlockSpec(memory_space=pltpu.SMEM),
            pl.BlockSpec(memory_space=pltpu.SMEM),
            pl.BlockSpec(memory_space=pltpu.SMEM),
            pl.BlockSpec(memory_space=pltpu.SMEM),
            pl.BlockSpec((_TC_BLOCK, _COLS),
                         lambda i: (i + _R_SC // _TC_BLOCK, 0)),
        ],
        out_specs=pl.BlockSpec((_TC_BLOCK, _COLS),
                               lambda i: (i + _R_SC // _TC_BLOCK, 0)),
        out_shape=jax.ShapeDtypeStruct((_ROWS, _COLS), jnp.float32),
        input_output_aliases={0: 0},
    )(partial_out, w_inc, w_thr, a, b, x2)


def kernel(x, w_inc, w_thr, a, b):
    x2 = x.reshape(_ROWS, _COLS)
    w = w_inc[0, 0] * a[0]
    bv = w_thr[0, 0] * b[0]
    w_vec = jnp.full((_LANES,), w, jnp.float32)
    bv_vec = jnp.full((_LANES,), bv, jnp.float32)
    partial = _sc_part(x2, w_vec, bv_vec)
    if _R_TC > 0:
        partial = _tc_part(partial, x2, w_inc, w_thr, a, b)
    return partial.reshape(x.shape)

# --- scband reference (transcript-rebuilt; emitter-appended) ---
"""Pipeline reference for scband-jiwonid-47253230190951 (READ-ONLY COPY).

The authoritative reference and input builder live on the scoring server;
editing this copy changes nothing except your own understanding.
"""

import jax, jax.numpy as jnp
import numpy as np


def setup_inputs(seed: int = 0) -> dict:
    key = jax.random.key(seed)
    k1, k2, k3 = jax.random.split(key, 3)
    x = jax.random.normal(k1, (64, 32, 32768), dtype=jnp.float32)
    # inclination: Linear(1,1,bias=False) weight [1,1]
    w_inc = jax.random.normal(k2, (1, 1), dtype=jnp.float32) * 0.1 + 0.5
    # x_threshold: Linear(1,1,bias=False) weight [1,1]; must be <= 0 so the
    # boolean-mask reshape in the original torch code is valid (no elements dropped)
    w_thr = -jnp.abs(jax.random.normal(k3, (1, 1), dtype=jnp.float32)) - 0.1
    a = jnp.ones((1,), dtype=jnp.float32)  # self.a buffer
    b = jnp.ones((1,), dtype=jnp.float32)  # self.b buffer
    return {"x": x, "w_inc": w_inc, "w_thr": w_thr, "a": a, "b": b}


def reference(x, w_inc, w_thr, a, b):
    # w = self.inclination(self.a); b_val = self.x_threshold(self.b)
    w = jnp.dot(w_inc, a)      # shape [1]
    b_val = jnp.dot(w_thr, b)  # shape [1]
    # x[x < b] = 0  (in-place zeroing below threshold)
    x = jnp.where(x < b_val, 0.0, x)
    # x = x[x >= b] * w ; reshape back. Since b_val <= 0, every element
    # (including the freshly-zeroed ones) satisfies x >= b_val, so this is
    # equivalent to scaling all elements by w.
    x = x * w
    # x[x > 1] = 1  (clamp upper)
    x = jnp.where(x > 1.0, 1.0, x)
    return x

if __name__ == "__main__":
    import jax
    _d = setup_inputs()
    print(jax.jit(kernel)(*tuple(_d.values())))

</pallas_src>

<mosaic_0001>
#map = affine_map<(d0, d1) -> (0)>
#map1 = affine_map<(d0, d1) -> (0, 0)>
module attributes {stable_mosaic.version = 14 : i64} {
  func.func @sck(%arg0: i32, %arg1: i32, %arg2: memref<16xf32, #tpu.memory_space<hbm>>, %arg3: memref<16xf32, #tpu.memory_space<hbm>>, %arg4: memref<2048x32768xf32, #tpu.memory_space<hbm>>, %arg5: memref<2048x32768xf32, #tpu.memory_space<hbm>>, %arg6: memref<16xf32, #tpu.memory_space<vmem>>, %arg7: memref<16xf32, #tpu.memory_space<vmem>>) attributes {dimension_semantics = [#tpu.dimension_semantics<core_parallel>, #tpu.dimension_semantics<subcore_parallel>], iteration_bounds = array<i64: 2, 16>, scalar_prefetch = 0 : i64, scratch_operands = 2 : i64, tpu.core_type = #tpu.core_type<sc_vector_subcore>, window_params = [{transform_indices = #map}, {transform_indices = #map}, {transform_indices = #map1}, {transform_indices = #map1}]} {
    "tpu.region"() ({
      %run_scoped3A = tpu.sem_alloc : memref<!tpu.dma_semaphore, #tpu.memory_space<semaphore_mem>>
      tpu.enqueue_dma source(%arg2 : memref<16xf32, #tpu.memory_space<hbm>>) target(%arg6 : memref<16xf32, #tpu.memory_space<vmem>>) target_semaphore(%run_scoped3A : memref<!tpu.dma_semaphore, #tpu.memory_space<semaphore_mem>>)
      tpu.wait_dma2 semaphore(%run_scoped3A : memref<!tpu.dma_semaphore, #tpu.memory_space<semaphore_mem>>) src(%arg2 : memref<16xf32, #tpu.memory_space<hbm>>) dst(%arg6 : memref<16xf32, #tpu.memory_space<vmem>>)
      tpu.yield
    }) : () -> ()
    "tpu.region"() ({
      %run_scoped3A = tpu.sem_alloc : memref<!tpu.dma_semaphore, #tpu.memory_space<semaphore_mem>>
      tpu.enqueue_dma source(%arg3 : memref<16xf32, #tpu.memory_space<hbm>>) target(%arg7 : memref<16xf32, #tpu.memory_space<vmem>>) target_semaphore(%run_scoped3A : memref<!tpu.dma_semaphore, #tpu.memory_space<semaphore_mem>>)
      tpu.wait_dma2 semaphore(%run_scoped3A : memref<!tpu.dma_semaphore, #tpu.memory_space<semaphore_mem>>) src(%arg3 : memref<16xf32, #tpu.memory_space<hbm>>) dst(%arg7 : memref<16xf32, #tpu.memory_space<vmem>>)
      tpu.yield
    }) : () -> ()
    %get3A = arith.constant 0 : index
    %get3A_0 = tpu.vector_load %arg6[%get3A] {strides = array<i32>} : memref<16xf32, #tpu.memory_space<vmem>>, vector<16xf32>,
    %get3A_1 = vector.shape_cast %get3A_0 : vector<16xf32> to vector<16xf32>
    %get3A_2 = arith.constant 0 : index
    %get3A_3 = tpu.vector_load %arg7[%get3A_2] {strides = array<i32>} : memref<16xf32, #tpu.memory_space<vmem>>, vector<16xf32>,
    %get3A_4 = vector.shape_cast %get3A_3 : vector<16xf32> to vector<16xf32>
    %mul3A = arith.constant 1 : i32
    %mul3A_5 = arith.muli %arg1, %mul3A : i32
    %add3A = arith.constant 0 : i32
    %add3A_6 = arith.addi %add3A, %mul3A_5 : i32
    %mul3A_7 = arith.constant 16 : i32
    %mul3A_8 = arith.muli %arg0, %mul3A_7 : i32
    %add3A_9 = arith.addi %add3A_6, %mul3A_8 : i32
    %mul3A_10 = arith.constant 24 : i32
    %mul3A_11 = arith.muli %add3A_9, %mul3A_10 : i32
    "tpu.region"() ({
      %run_scoped3A = memref.alloca() : memref<32768xf32, #tpu.memory_space<vmem>>
      %run_scoped3A_12 = tpu.sem_alloc : memref<2x!tpu.dma_semaphore, #tpu.memory_space<semaphore_mem>>
      %run_scoped3A_13 = memref.alloca() : memref<32768xf32, #tpu.memory_space<vmem>>
      %run_scoped3A_14 = tpu.sem_alloc : memref<2x!tpu.dma_semaphore, #tpu.memory_space<semaphore_mem>>
      %add3A_15 = arith.constant 0 : i32
      %add3A_16 = arith.addi %add3A_15, %mul3A_11 : i32
      %select_n3A = arith.constant true
      %select_n3A_17 = arith.constant 0 : i32
      %select_n3A_18 = arith.constant -1 : i32
      %select_n3A_19 = arith.select %select_n3A, %select_n3A_18, %select_n3A_17 : i32
      %eq3A = arith.constant -1 : i32
      %eq3A_20 = arith.cmpi eq, %select_n3A_19, %eq3A : i32
      %select_n3A_21 = arith.constant 1 : i32
      %select_n3A_22 = arith.select %eq3A_20, %select_n3A_21, %select_n3A_19 : i32
      %select_n3A_23 = arith.constant 0 : i32
      %select_n3A_24 = arith.constant -1 : i32
      %select_n3A_25 = arith.select %eq3A_20, %select_n3A_24, %select_n3A_23 : i32
      %eq3A_26 = arith.constant -1 : i32
      %eq3A_27 = arith.cmpi eq, %select_n3A_25, %eq3A_26 : i32
      %select_n3A_28 = arith.constant 23 : i32
      %select_n3A_29 = arith.select %eq3A_27, %select_n3A_28, %select_n3A_25 : i32
      %add3A_30 = arith.addi %select_n3A_29, %mul3A_11 : i32
      %add3A_31 = arith.constant 0 : i32
      %add3A_32 = arith.addi %select_n3A_22, %add3A_31 : i32
      %select_n3A_33 = arith.constant true
      %select_n3A_34 = arith.constant 0 : i32
      %select_n3A_35 = arith.constant 1 : i32
      %select_n3A_36 = arith.select %select_n3A_33, %select_n3A_35, %select_n3A_34 : i32
      %eq3A_37 = arith.constant 2 : i32
      %eq3A_38 = arith.cmpi eq, %select_n3A_36, %eq3A_37 : i32
      %select_n3A_39 = arith.constant 0 : i32
      %select_n3A_40 = arith.select %eq3A_38, %select_n3A_39, %select_n3A_36 : i32
      %select_n3A_41 = arith.constant 0 : i32
      %select_n3A_42 = arith.constant 1 : i32
      %select_n3A_43 = arith.select %eq3A_38, %select_n3A_42, %select_n3A_41 : i32
      %eq3A_44 = arith.constant 24 : i32
      %eq3A_45 = arith.cmpi eq, %select_n3A_43, %eq3A_44 : i32
      %select_n3A_46 = arith.constant 0 : i32
      %select_n3A_47 = arith.select %eq3A_45, %select_n3A_46, %select_n3A_43 : i32
      %add3A_48 = arith.addi %select_n3A_47, %mul3A_11 : i32
      %add3A_49 = arith.constant 0 : i32
      %add3A_50 = arith.addi %select_n3A_40, %add3A_49 : i32
      %add3A_51 = arith.constant 1 : i32
      %add3A_52 = arith.addi %select_n3A_40, %add3A_51 : i32
      %select_n3A_53 = arith.constant true
      %select_n3A_54 = arith.select %select_n3A_53, %add3A_52, %select_n3A_40 : i32
      %eq3A_55 = arith.constant 2 : i32
      %eq3A_56 = arith.cmpi eq, %select_n3A_54, %eq3A_55 : i32
      %select_n3A_57 = arith.constant 0 : i32
      %select_n3A_58 = arith.select %eq3A_56, %select_n3A_57, %select_n3A_54 : i32
      %add3A_59 = arith.constant 1 : i32
      %add3A_60 = arith.addi %select_n3A_47, %add3A_59 : i32
      %select_n3A_61 = arith.select %eq3A_56, %add3A_60, %select_n3A_47 : i32
      %eq3A_62 = arith.constant 24 : i32
      %eq3A_63 = arith.cmpi eq, %select_n3A_61, %eq3A_62 : i32
      %select_n3A_64 = arith.constant 0 : i32
      %select_n3A_65 = arith.select %eq3A_63, %select_n3A_64, %select_n3A_61 : i32
      %add3A_66 = arith.addi %select_n3A_65, %mul3A_11 : i32
      %add3A_67 = arith.constant 0 : i32
      %add3A_68 = arith.addi %select_n3A_58, %add3A_67 : i32
      "tpu.trace_start"() <{level = 10 : i32, message = "ep_initialize_0"}> : () -> ()
      %rem3A = arith.constant 0 : i32
      %rem3A_69 = arith.constant 2 : i32
      %rem3A_70 = arith.remui %rem3A, %rem3A_69 : i32
      %mul3A_71 = arith.constant 16384 : i32
      %mul3A_72 = arith.muli %rem3A_70, %mul3A_71 : i32
      %add3A_73 = arith.constant 0 : i32
      %add3A_74 = arith.addi %mul3A_72, %add3A_73 : i32
      %dma_start3A = tpu.memref_slice %run_scoped3A[%add3A_74] : memref<32768xf32, #tpu.memory_space<vmem>> -> memref<16384xf32, #tpu.memory_space<vmem>>
      %dma_start3A_75 = arith.constant 0 : i32
      %dma_start3A_76 = tpu.memref_slice %arg4[%add3A_16, %dma_start3A_75] : memref<2048x32768xf32, #tpu.memory_space<hbm>> -> memref<1x16384xf32, #tpu.memory_space<hbm>>
      %dma_start3A_77 = tpu.memref_squeeze %dma_start3A_76 : memref<1x16384xf32, #tpu.memory_space<hbm>> -> memref<16384xf32, #tpu.memory_space<hbm>>
      %dma_start3A_78 = tpu.memref_slice %run_scoped3A_12[%rem3A_70] : memref<2x!tpu.dma_semaphore, #tpu.memory_space<semaphore_mem>> -> memref<1x!tpu.dma_semaphore, #tpu.memory_space<semaphore_mem>>
      %dma_start3A_79 = tpu.memref_squeeze %dma_start3A_78 : memref<1x!tpu.dma_semaphore, #tpu.memory_space<semaphore_mem>> -> memref<!tpu.dma_semaphore, #tpu.memory_space<semaphore_mem>>
      %dma_start3A_80 = tpu.memref_slice %run_scoped3A[%add3A_74] : memref<32768xf32, #tpu.memory_space<vmem>> -> memref<16384xf32, #tpu.memory_space<vmem>>
      %dma_start3A_81 = arith.constant 0 : i32
      %dma_start3A_82 = tpu.memref_slice %arg4[%add3A_16, %dma_start3A_81] : memref<2048x32768xf32, #tpu.memory_space<hbm>> -> memref<1x16384xf32, #tpu.memory_space<hbm>>
      %dma_start3A_83 = tpu.memref_squeeze %dma_start3A_82 : memref<1x16384xf32, #tpu.memory_space<hbm>> -> memref<16384xf32, #tpu.memory_space<hbm>>
      tpu.enqueue_dma source(%dma_start3A_83 : memref<16384xf32, #tpu.memory_space<hbm>>) target(%dma_start3A_80 : memref<16384xf32, #tpu.memory_space<vmem>>) target_semaphore(%dma_start3A_79 : memref<!tpu.dma_semaphore, #tpu.memory_space<semaphore_mem>>)
      %add3A_84 = arith.constant 0 : i32
      %add3A_85 = arith.constant 1 : i32
      %add3A_86 = arith.addi %add3A_84, %add3A_85 : i32
      %select_n3A_87 = arith.constant true
      %select_n3A_88 = arith.constant 0 : i32
      %select_n3A_89 = arith.select %select_n3A_87, %add3A_86, %select_n3A_88 : i32
      "tpu.trace_stop"() : () -> ()
      %scan3A = arith.constant 0 : i32
      %scan3A_90 = arith.constant 0 : i32
      %scan3A_91 = arith.constant 0 : i32
      %scan3A_92 = arith.constant 0 : i32
      %scan3A_93 = arith.constant 0 : i32
      %scan3A_94 = arith.constant 0 : i32
      %scan3A_95 = arith.constant 48 : i32
      %scan3A_96 = arith.addi %scan3A_94, %scan3A_95 : i32
      %scan3A_97 = arith.constant 1 : i32
      %scan3A_98:6 = scf.for %scan3A_186 = %scan3A_94 to %scan3A_96 step %scan3A_97 iter_args(%scan3A_187 = %select_n3A_89, %scan3A_188 = %scan3A, %scan3A_189 = %scan3A_90, %scan3A_190 = %scan3A_91, %scan3A_191 = %scan3A_92, %scan3A_192 = %scan3A_93) -> (i32, i32, i32, i32, i32, i32)  : i32 {
        %eq3A_193 = arith.constant 0 : i32
        %eq3A_194 = arith.cmpi eq, %scan3A_186, %eq3A_193 : i32
        %eq3A_195 = arith.constant 47 : i32
        %eq3A_196 = arith.cmpi eq, %scan3A_186, %eq3A_195 : i32
        %add3A_197 = arith.addi %scan3A_191, %mul3A_11 : i32
        %add3A_198 = arith.constant 0 : i32
        %add3A_199 = arith.addi %scan3A_192, %add3A_198 : i32
        %sub3A_200 = arith.constant 1 : i32
        %sub3A_201 = arith.subi %scan3A_192, %sub3A_200 : i32
        %select_n3A_202 = arith.constant true
        %select_n3A_203 = arith.select %select_n3A_202, %sub3A_201, %scan3A_192 : i32
        %eq3A_204 = arith.constant -1 : i32
        %eq3A_205 = arith.cmpi eq, %select_n3A_203, %eq3A_204 : i32
        %select_n3A_206 = arith.constant 1 : i32
        %select_n3A_207 = arith.select %eq3A_205, %select_n3A_206, %select_n3A_203 : i32
        %sub3A_208 = arith.constant 1 : i32
        %sub3A_209 = arith.subi %scan3A_191, %sub3A_208 : i32
        %select_n3A_210 = arith.select %eq3A_205, %sub3A_209, %scan3A_191 : i32
        %eq3A_211 = arith.constant -1 : i32
        %eq3A_212 = arith.cmpi eq, %select_n3A_210, %eq3A_211 : i32
        %select_n3A_213 = arith.constant 23 : i32
        %select_n3A_214 = arith.select %eq3A_212, %select_n3A_213, %select_n3A_210 : i32
        %add3A_215 = arith.addi %select_n3A_214, %mul3A_11 : i32
        %add3A_216 = arith.constant 0 : i32
        %add3A_217 = arith.addi %select_n3A_207, %add3A_216 : i32
        %add3A_218 = arith.constant 1 : i32
        %add3A_219 = arith.addi %scan3A_192, %add3A_218 : i32
        %select_n3A_220 = arith.constant true
        %select_n3A_221 = arith.select %select_n3A_220, %add3A_219, %scan3A_192 : i32
        %eq3A_222 = arith.constant 2 : i32
        %eq3A_223 = arith.cmpi eq, %select_n3A_221, %eq3A_222 : i32
        %select_n3A_224 = arith.constant 0 : i32
        %select_n3A_225 = arith.select %eq3A_223, %select_n3A_224, %select_n3A_221 : i32
        %add3A_226 = arith.constant 1 : i32
        %add3A_227 = arith.addi %scan3A_191, %add3A_226 : i32
        %select_n3A_228 = arith.select %eq3A_223, %add3A_227, %scan3A_191 : i32
        %eq3A_229 = arith.constant 24 : i32
        %eq3A_230 = arith.cmpi eq, %select_n3A_228, %eq3A_229 : i32
        %select_n3A_231 = arith.constant 0 : i32
        %select_n3A_232 = arith.select %eq3A_230, %select_n3A_231, %select_n3A_228 : i32
        %add3A_233 = arith.addi %select_n3A_232, %mul3A_11 : i32
        %add3A_234 = arith.constant 0 : i32
        %add3A_235 = arith.addi %select_n3A_225, %add3A_234 : i32
        %add3A_236 = arith.constant 1 : i32
        %add3A_237 = arith.addi %select_n3A_225, %add3A_236 : i32
        %select_n3A_238 = arith.constant true
        %select_n3A_239 = arith.select %select_n3A_238, %add3A_237, %select_n3A_225 : i32
        %eq3A_240 = arith.constant 2 : i32
        %eq3A_241 = arith.cmpi eq, %select_n3A_239, %eq3A_240 : i32
        %select_n3A_242 = arith.constant 0 : i32
        %select_n3A_243 = arith.select %eq3A_241, %select_n3A_242, %select_n3A_239 : i32
        %add3A_244 = arith.constant 1 : i32
        %add3A_245 = arith.addi %select_n3A_232, %add3A_244 : i32
        %select_n3A_246 = arith.select %eq3A_241, %add3A_245, %select_n3A_232 : i32
        %eq3A_247 = arith.constant 24 : i32
        %eq3A_248 = arith.cmpi eq, %select_n3A_246, %eq3A_247 : i32
        %select_n3A_249 = arith.constant 0 : i32
        %select_n3A_250 = arith.select %eq3A_248, %select_n3A_249, %select_n3A_246 : i32
        %add3A_251 = arith.addi %select_n3A_250, %mul3A_11 : i32
        %add3A_252 = arith.constant 0 : i32
        %add3A_253 = arith.addi %select_n3A_243, %add3A_252 : i32
        %ne3A = arith.cmpi ne, %add3A_197, %add3A_233 : i32
        %ne3A_254 = arith.cmpi ne, %add3A_199, %add3A_235 : i32
        %or3A = arith.constant false
        %or3A_255 = arith.ori %or3A, %ne3A : i1
        %or3A_256 = arith.ori %or3A_255, %ne3A_254 : i1
        %ge3A = arith.constant 47 : i32
        %ge3A_257 = arith.cmpi sge, %scan3A_186, %ge3A : i32
        %not3A = arith.constant true
        %not3A_258 = arith.xori %ge3A_257, %not3A : i1
        %and3A = arith.andi %or3A_256, %not3A_258 : i1
        %convert_element_type3A = arith.extui %and3A : i1 to i32
        %cond3A = arith.constant 0 : i32
        %cond3A_259 = arith.cmpi ne, %convert_element_type3A, %cond3A : i32
        scf.if %cond3A_259 {
          "tpu.trace_start"() <{level = 10 : i32, message = "ep_copy_in"}> : () -> ()
          %rem3A_381 = arith.constant 2 : i32
          %rem3A_382 = arith.remui %scan3A_187, %rem3A_381 : i32
          %mul3A_383 = arith.constant 16384 : i32
          %mul3A_384 = arith.muli %mul3A_383, %add3A_235 : i32
          %mul3A_385 = arith.constant 16384 : i32
          %mul3A_386 = arith.muli %rem3A_382, %mul3A_385 : i32
          %add3A_387 = arith.constant 0 : i32
          %add3A_388 = arith.addi %mul3A_386, %add3A_387 : i32
          %dma_start3A_389 = tpu.memref_slice %run_scoped3A[%add3A_388] : memref<32768xf32, #tpu.memory_space<vmem>> -> memref<16384xf32, #tpu.memory_space<vmem>>
          %dma_start3A_390 = tpu.memref_slice %arg4[%add3A_233, %mul3A_384] : memref<2048x32768xf32, #tpu.memory_space<hbm>> -> memref<1x16384xf32, #tpu.memory_space<hbm>>
          %dma_start3A_391 = tpu.memref_squeeze %dma_start3A_390 : memref<1x16384xf32, #tpu.memory_space<hbm>> -> memref<16384xf32, #tpu.memory_space<hbm>>
          %dma_start3A_392 = tpu.memref_slice %run_scoped3A_12[%rem3A_382] : memref<2x!tpu.dma_semaphore, #tpu.memory_space<semaphore_mem>> -> memref<1x!tpu.dma_semaphore, #tpu.memory_space<semaphore_mem>>
          %dma_start3A_393 = tpu.memref_squeeze %dma_start3A_392 : memref<1x!tpu.dma_semaphore, #tpu.memory_space<semaphore_mem>> -> memref<!tpu.dma_semaphore, #tpu.memory_space<semaphore_mem>>
          %dma_start3A_394 = tpu.memref_slice %run_scoped3A[%add3A_388] : memref<32768xf32, #tpu.memory_space<vmem>> -> memref<16384xf32, #tpu.memory_space<vmem>>
          %dma_start3A_395 = tpu.memref_slice %arg4[%add3A_233, %mul3A_384] : memref<2048x32768xf32, #tpu.memory_space<hbm>> -> memref<1x16384xf32, #tpu.memory_space<hbm>>
          %dma_start3A_396 = tpu.memref_squeeze %dma_start3A_395 : memref<1x16384xf32, #tpu.memory_space<hbm>> -> memref<16384xf32, #tpu.memory_space<hbm>>
          tpu.enqueue_dma source(%dma_start3A_396 : memref<16384xf32, #tpu.memory_space<hbm>>) target(%dma_start3A_394 : memref<16384xf32, #tpu.memory_space<vmem>>) target_semaphore(%dma_start3A_393 : memref<!tpu.dma_semaphore, #tpu.memory_space<semaphore_mem>>)
          "tpu.trace_stop"() : () -> ()
        } else {
        }
        %and3A_260 = arith.constant true
        %and3A_261 = arith.andi %and3A, %and3A_260 : i1
        %add3A_262 = arith.constant 1 : i32
        %add3A_263 = arith.addi %scan3A_187, %add3A_262 : i32
        %select_n3A_264 = arith.select %and3A_261, %add3A_263, %scan3A_187 : i32
        %ne3A_265 = arith.cmpi ne, %add3A_197, %add3A_233 : i32
        %ne3A_266 = arith.cmpi ne, %add3A_199, %add3A_235 : i32
        %or3A_267 = arith.constant false
        %or3A_268 = arith.ori %or3A_267, %ne3A_265 : i1
        %or3A_269 = arith.ori %or3A_268, %ne3A_266 : i1
        %ge3A_270 = arith.constant 47 : i32
        %ge3A_271 = arith.cmpi sge, %scan3A_186, %ge3A_270 : i32
        %not3A_272 = arith.constant true
        %not3A_273 = arith.xori %ge3A_271, %not3A_272 : i1
        %and3A_274 = arith.andi %or3A_269, %not3A_273 : i1
        %ne3A_275 = arith.cmpi ne, %add3A_197, %add3A_215 : i32
        %ne3A_276 = arith.cmpi ne, %add3A_199, %add3A_217 : i32
        %or3A_277 = arith.constant false
        %or3A_278 = arith.ori %or3A_277, %ne3A_275 : i1
        %or3A_279 = arith.ori %or3A_278, %ne3A_276 : i1
        %or3A_280 = arith.ori %or3A_279, %eq3A_194 : i1
        %convert_element_type3A_281 = arith.extui %or3A_280 : i1 to i32
        %cond3A_282 = arith.constant 0 : i32
        %cond3A_283 = arith.cmpi ne, %convert_element_type3A_281, %cond3A_282 : i32
        scf.if %cond3A_283 {
          "tpu.trace_start"() <{level = 10 : i32, message = "ep_wait_in"}> : () -> ()
          %mul3A_381 = arith.constant 16384 : i32
          %mul3A_382 = arith.muli %mul3A_381, %add3A_199 : i32
          %rem3A_383 = arith.constant 2 : i32
          %rem3A_384 = arith.remui %scan3A_188, %rem3A_383 : i32
          %mul3A_385 = arith.constant 16384 : i32
          %mul3A_386 = arith.muli %rem3A_384, %mul3A_385 : i32
          %add3A_387 = arith.constant 0 : i32
          %add3A_388 = arith.addi %mul3A_386, %add3A_387 : i32
          %dma_wait3A_389 = tpu.memref_slice %run_scoped3A[%add3A_388] : memref<32768xf32, #tpu.memory_space<vmem>> -> memref<16384xf32, #tpu.memory_space<vmem>>
          %dma_wait3A_390 = tpu.memref_slice %arg4[%add3A_197, %mul3A_382] : memref<2048x32768xf32, #tpu.memory_space<hbm>> -> memref<1x16384xf32, #tpu.memory_space<hbm>>
          %dma_wait3A_391 = tpu.memref_squeeze %dma_wait3A_390 : memref<1x16384xf32, #tpu.memory_space<hbm>> -> memref<16384xf32, #tpu.memory_space<hbm>>
          %dma_wait3A_392 = tpu.memref_slice %run_scoped3A_12[%rem3A_384] : memref<2x!tpu.dma_semaphore, #tpu.memory_space<semaphore_mem>> -> memref<1x!tpu.dma_semaphore, #tpu.memory_space<semaphore_mem>>
          %dma_wait3A_393 = tpu.memref_squeeze %dma_wait3A_392 : memref<1x!tpu.dma_semaphore, #tpu.memory_space<semaphore_mem>> -> memref<!tpu.dma_semaphore, #tpu.memory_space<semaphore_mem>>
          %dma_wait3A_394 = tpu.memref_slice %run_scoped3A[%add3A_388] : memref<32768xf32, #tpu.memory_space<vmem>> -> memref<16384xf32, #tpu.memory_space<vmem>>
          %dma_wait3A_395 = tpu.memref_slice %arg4[%add3A_197, %mul3A_382] : memref<2048x32768xf32, #tpu.memory_space<hbm>> -> memref<1x16384xf32, #tpu.memory_space<hbm>>
          %dma_wait3A_396 = tpu.memref_squeeze %dma_wait3A_395 : memref<1x16384xf32, #tpu.memory_space<hbm>> -> memref<16384xf32, #tpu.memory_space<hbm>>
          tpu.wait_dma2 semaphore(%dma_wait3A_393 : memref<!tpu.dma_semaphore, #tpu.memory_space<semaphore_mem>>) src(%dma_wait3A_396 : memref<16384xf32, #tpu.memory_space<hbm>>) dst(%dma_wait3A_394 : memref<16384xf32, #tpu.memory_space<vmem>>)
          "tpu.trace_stop"() : () -> ()
        } else {
        }
        %ne3A_284 = arith.cmpi ne, %add3A_197, %add3A_215 : i32
        %ne3A_285 = arith.cmpi ne, %add3A_199, %add3A_217 : i32
        %or3A_286 = arith.constant false
        %or3A_287 = arith.ori %or3A_286, %ne3A_284 : i1
        %or3A_288 = arith.ori %or3A_287, %ne3A_285 : i1
        %or3A_289 = arith.ori %or3A_288, %eq3A_194 : i1
        %convert_element_type3A_290 = arith.extui %or3A_289 : i1 to i32
        %cond3A_291 = arith.constant 0 : i32
        %cond3A_292 = arith.cmpi ne, %convert_element_type3A_290, %cond3A_291 : i32
        scf.if %cond3A_292 {
        } else {
        }
        %rem3A_293 = arith.constant 2 : i32
        %rem3A_294 = arith.remui %scan3A_188, %rem3A_293 : i32
        %mul3A_295 = arith.constant 16384 : i32
        %mul3A_296 = arith.muli %rem3A_294, %mul3A_295 : i32
        %rem3A_297 = arith.constant 2 : i32
        %rem3A_298 = arith.remui %scan3A_189, %rem3A_297 : i32
        %mul3A_299 = arith.constant 16384 : i32
        %mul3A_300 = arith.muli %rem3A_298, %mul3A_299 : i32
        %parallel_loop3A = arith.constant 0 : i32
        %parallel_loop3A_301 = arith.constant 16384 : i32
        %parallel_loop3A_302 = arith.constant 16 : i32
        "tpu.trace_start"() <{level = 10 : i32, message = "ep_run_kernel"}> : () -> ()
        scf.for %parallel_loop3A_381 = %parallel_loop3A to %parallel_loop3A_301 step %parallel_loop3A_302  : i32 {
          %parallel_loop3A_382 = tpu.memref_slice %run_scoped3A[%mul3A_296] : memref<32768xf32, #tpu.memory_space<vmem>> -> memref<16384xf32, #tpu.memory_space<vmem>>
          %parallel_loop3A_383 = arith.index_cast %parallel_loop3A_381 : i32 to index
          %parallel_loop3A_384 = tpu.vector_load %parallel_loop3A_382[%parallel_loop3A_383] {strides = array<i32>} : memref<16384xf32, #tpu.memory_space<vmem>>, vector<16xf32>,
          %parallel_loop3A_385 = vector.shape_cast %parallel_loop3A_384 : vector<16xf32> to vector<16xf32>
          %parallel_loop3A_386 = arith.cmpf olt, %parallel_loop3A_385, %get3A_4 : vector<16xf32>
          %parallel_loop3A_387 = arith.mulf %parallel_loop3A_385, %get3A_1 : vector<16xf32>
          %parallel_loop3A_388 = arith.constant 0.000000e+00 : f32
          %parallel_loop3A_389 = vector.broadcast %parallel_loop3A_388 : f32 to vector<16xf32>
          %parallel_loop3A_390 = arith.select %parallel_loop3A_386, %parallel_loop3A_389, %parallel_loop3A_387 : vector<16xi1>, vector<16xf32>
          %parallel_loop3A_391 = arith.constant 1.000000e+00 : f32
          %parallel_loop3A_392 = vector.broadcast %parallel_loop3A_391 : f32 to vector<16xf32>
          %parallel_loop3A_393 = arith.minimumf %parallel_loop3A_390, %parallel_loop3A_392 : vector<16xf32>
          %parallel_loop3A_394 = tpu.memref_slice %run_scoped3A_13[%mul3A_300] : memref<32768xf32, #tpu.memory_space<vmem>> -> memref<16384xf32, #tpu.memory_space<vmem>>
          %parallel_loop3A_395 = arith.index_cast %parallel_loop3A_381 : i32 to index
          %parallel_loop3A_396 = tpu.vector_load %parallel_loop3A_394[%parallel_loop3A_395] {strides = array<i32>} : memref<16384xf32, #tpu.memory_space<vmem>>, vector<16xf32>,
          %parallel_loop3A_397 = vector.shape_cast %parallel_loop3A_396 : vector<16xf32> to vector<16xf32>
          %parallel_loop3A_398 = vector.shape_cast %parallel_loop3A_393 : vector<16xf32> to vector<16xf32>
          tpu.vector_store %parallel_loop3A_394[%parallel_loop3A_395], %parallel_loop3A_398 {strides = array<i32>} : memref<16384xf32, #tpu.memory_space<vmem>>, vector<16xf32>,
        } {sc.loop_unroll_factor = 16 : i64, sc.parallel_access}
        "tpu.trace_stop"() : () -> ()
        %ne3A_303 = arith.cmpi ne, %add3A_197, %add3A_233 : i32
        %ne3A_304 = arith.cmpi ne, %add3A_199, %add3A_235 : i32
        %or3A_305 = arith.constant false
        %or3A_306 = arith.ori %or3A_305, %ne3A_303 : i1
        %or3A_307 = arith.ori %or3A_306, %ne3A_304 : i1
        %or3A_308 = arith.ori %or3A_307, %eq3A_196 : i1
        %convert_element_type3A_309 = arith.extui %or3A_308 : i1 to i32
        %cond3A_310 = arith.constant 0 : i32
        %cond3A_311 = arith.cmpi ne, %convert_element_type3A_309, %cond3A_310 : i32
        scf.if %cond3A_311 {
        } else {
        }
        %and3A_312 = arith.constant false
        %and3A_313 = arith.andi %or3A_308, %and3A_312 : i1
        %ne3A_314 = arith.cmpi ne, %add3A_197, %add3A_233 : i32
        %ne3A_315 = arith.cmpi ne, %add3A_199, %add3A_235 : i32
        %or3A_316 = arith.constant false
        %or3A_317 = arith.ori %or3A_316, %ne3A_314 : i1
        %or3A_318 = arith.ori %or3A_317, %ne3A_315 : i1
        %or3A_319 = arith.ori %or3A_318, %eq3A_196 : i1
        %convert_element_type3A_320 = arith.extui %or3A_319 : i1 to i32
        %cond3A_321 = arith.constant 0 : i32
        %cond3A_322 = arith.cmpi ne, %convert_element_type3A_320, %cond3A_321 : i32
        scf.if %cond3A_322 {
          "tpu.trace_start"() <{level = 10 : i32, message = "ep_copy_out"}> : () -> ()
          %rem3A_381 = arith.constant 2 : i32
          %rem3A_382 = arith.remui %scan3A_189, %rem3A_381 : i32
          %mul3A_383 = arith.constant 16384 : i32
          %mul3A_384 = arith.muli %mul3A_383, %add3A_199 : i32
          %mul3A_385 = arith.constant 16384 : i32
          %mul3A_386 = arith.muli %rem3A_382, %mul3A_385 : i32
          %add3A_387 = arith.constant 0 : i32
          %add3A_388 = arith.addi %mul3A_386, %add3A_387 : i32
          %dma_start3A_389 = tpu.memref_slice %run_scoped3A_13[%add3A_388] : memref<32768xf32, #tpu.memory_space<vmem>> -> memref<16384xf32, #tpu.memory_space<vmem>>
          %dma_start3A_390 = tpu.memref_slice %arg5[%add3A_197, %mul3A_384] : memref<2048x32768xf32, #tpu.memory_space<hbm>> -> memref<1x16384xf32, #tpu.memory_space<hbm>>
          %dma_start3A_391 = tpu.memref_squeeze %dma_start3A_390 : memref<1x16384xf32, #tpu.memory_space<hbm>> -> memref<16384xf32, #tpu.memory_space<hbm>>
          %dma_start3A_392 = tpu.memref_slice %run_scoped3A_14[%rem3A_382] : memref<2x!tpu.dma_semaphore, #tpu.memory_space<semaphore_mem>> -> memref<1x!tpu.dma_semaphore, #tpu.memory_space<semaphore_mem>>
          %dma_start3A_393 = tpu.memref_squeeze %dma_start3A_392 : memref<1x!tpu.dma_semaphore, #tpu.memory_space<semaphore_mem>> -> memref<!tpu.dma_semaphore, #tpu.memory_space<semaphore_mem>>
          %dma_start3A_394 = tpu.memref_slice %arg5[%add3A_197, %mul3A_384] : memref<2048x32768xf32, #tpu.memory_space<hbm>> -> memref<1x16384xf32, #tpu.memory_space<hbm>>
          %dma_start3A_395 = tpu.memref_squeeze %dma_start3A_394 : memref<1x16384xf32, #tpu.memory_space<hbm>> -> memref<16384xf32, #tpu.memory_space<hbm>>
          %dma_start3A_396 = tpu.memref_slice %run_scoped3A_13[%add3A_388] : memref<32768xf32, #tpu.memory_space<vmem>> -> memref<16384xf32, #tpu.memory_space<vmem>>
          tpu.enqueue_dma source(%dma_start3A_396 : memref<16384xf32, #tpu.memory_space<vmem>>) target(%dma_start3A_395 : memref<16384xf32, #tpu.memory_space<hbm>>) target_semaphore(%dma_start3A_393 : memref<!tpu.dma_semaphore, #tpu.memory_space<semaphore_mem>>)
          "tpu.trace_stop"() : () -> ()
        } else {
        }
        %and3A_323 = arith.constant true
        %and3A_324 = arith.andi %or3A_319, %and3A_323 : i1
        %add3A_325 = arith.constant 1 : i32
        %add3A_326 = arith.addi %scan3A_189, %add3A_325 : i32
        %select_n3A_327 = arith.select %and3A_324, %add3A_326, %scan3A_189 : i32
        %ne3A_328 = arith.cmpi ne, %add3A_197, %add3A_215 : i32
        %ne3A_329 = arith.cmpi ne, %add3A_199, %add3A_217 : i32
        %or3A_330 = arith.constant false
        %or3A_331 = arith.ori %or3A_330, %ne3A_328 : i1
        %or3A_332 = arith.ori %or3A_331, %ne3A_329 : i1
        %not3A_333 = arith.constant true
        %not3A_334 = arith.xori %eq3A_194, %not3A_333 : i1
        %and3A_335 = arith.andi %or3A_332, %not3A_334 : i1
        %convert_element_type3A_336 = arith.extui %and3A_335 : i1 to i32
        %cond3A_337 = arith.constant 0 : i32
        %cond3A_338 = arith.cmpi ne, %convert_element_type3A_336, %cond3A_337 : i32
        scf.if %cond3A_338 {
        } else {
        }
        %and3A_339 = arith.constant false
        %and3A_340 = arith.andi %and3A_335, %and3A_339 : i1
        %ne3A_341 = arith.cmpi ne, %add3A_197, %add3A_215 : i32
        %ne3A_342 = arith.cmpi ne, %add3A_199, %add3A_217 : i32
        %or3A_343 = arith.constant false
        %or3A_344 = arith.ori %or3A_343, %ne3A_341 : i1
        %or3A_345 = arith.ori %or3A_344, %ne3A_342 : i1
        %not3A_346 = arith.constant true
        %not3A_347 = arith.xori %eq3A_194, %not3A_346 : i1
        %and3A_348 = arith.andi %or3A_345, %not3A_347 : i1
        %convert_element_type3A_349 = arith.extui %and3A_348 : i1 to i32
        %cond3A_350 = arith.constant 0 : i32
        %cond3A_351 = arith.cmpi ne, %convert_element_type3A_349, %cond3A_350 : i32
        scf.if %cond3A_351 {
          "tpu.trace_start"() <{level = 10 : i32, message = "ep_wait_out"}> : () -> ()
          %rem3A_381 = arith.constant 2 : i32
          %rem3A_382 = arith.remui %scan3A_190, %rem3A_381 : i32
          %mul3A_383 = arith.constant 16384 : i32
          %mul3A_384 = arith.muli %mul3A_383, %add3A_217 : i32
          %mul3A_385 = arith.constant 16384 : i32
          %mul3A_386 = arith.muli %rem3A_382, %mul3A_385 : i32
          %add3A_387 = arith.constant 0 : i32
          %add3A_388 = arith.addi %mul3A_386, %add3A_387 : i32
          %dma_wait3A_389 = tpu.memref_slice %run_scoped3A_13[%add3A_388] : memref<32768xf32, #tpu.memory_space<vmem>> -> memref<16384xf32, #tpu.memory_space<vmem>>
          %dma_wait3A_390 = tpu.memref_slice %arg5[%add3A_215, %mul3A_384] : memref<2048x32768xf32, #tpu.memory_space<hbm>> -> memref<1x16384xf32, #tpu.memory_space<hbm>>
          %dma_wait3A_391 = tpu.memref_squeeze %dma_wait3A_390 : memref<1x16384xf32, #tpu.memory_space<hbm>> -> memref<16384xf32, #tpu.memory_space<hbm>>
          %dma_wait3A_392 = tpu.memref_slice %run_scoped3A_14[%rem3A_382] : memref<2x!tpu.dma_semaphore, #tpu.memory_space<semaphore_mem>> -> memref<1x!tpu.dma_semaphore, #tpu.memory_space<semaphore_mem>>
          %dma_wait3A_393 = tpu.memref_squeeze %dma_wait3A_392 : memref<1x!tpu.dma_semaphore, #tpu.memory_space<semaphore_mem>> -> memref<!tpu.dma_semaphore, #tpu.memory_space<semaphore_mem>>
          %dma_wait3A_394 = tpu.memref_slice %arg5[%add3A_215, %mul3A_384] : memref<2048x32768xf32, #tpu.memory_space<hbm>> -> memref<1x16384xf32, #tpu.memory_space<hbm>>
          %dma_wait3A_395 = tpu.memref_squeeze %dma_wait3A_394 : memref<1x16384xf32, #tpu.memory_space<hbm>> -> memref<16384xf32, #tpu.memory_space<hbm>>
          %dma_wait3A_396 = tpu.memref_slice %run_scoped3A_13[%add3A_388] : memref<32768xf32, #tpu.memory_space<vmem>> -> memref<16384xf32, #tpu.memory_space<vmem>>
          tpu.wait_dma2 semaphore(%dma_wait3A_393 : memref<!tpu.dma_semaphore, #tpu.memory_space<semaphore_mem>>) src(%dma_wait3A_396 : memref<16384xf32, #tpu.memory_space<vmem>>) dst(%dma_wait3A_395 : memref<16384xf32, #tpu.memory_space<hbm>>)
          "tpu.trace_stop"() : () -> ()
        } else {
        }
        %and3A_352 = arith.constant true
        %and3A_353 = arith.andi %and3A_348, %and3A_352 : i1
        %add3A_354 = arith.constant 1 : i32
        %add3A_355 = arith.addi %scan3A_190, %add3A_354 : i32
        %select_n3A_356 = arith.select %and3A_353, %add3A_355, %scan3A_190 : i32
        %ne3A_357 = arith.cmpi ne, %add3A_197, %add3A_233 : i32
        %ne3A_358 = arith.cmpi ne, %add3A_199, %add3A_235 : i32
        %or3A_359 = arith.constant false
        %or3A_360 = arith.ori %or3A_359, %ne3A_357 : i1
        %or3A_361 = arith.ori %or3A_360, %ne3A_358 : i1
        %or3A_362 = arith.ori %or3A_361, %eq3A_196 : i1
        %add3A_363 = arith.constant 1 : i32
        %add3A_364 = arith.addi %scan3A_188, %add3A_363 : i32
        %select_n3A_365 = arith.select %or3A_362, %add3A_364, %scan3A_188 : i32
        %add3A_366 = arith.constant 1 : i32
        %add3A_367 = arith.addi %scan3A_192, %add3A_366 : i32
        %select_n3A_368 = arith.constant true
        %select_n3A_369 = arith.select %select_n3A_368, %add3A_367, %scan3A_192 : i32
        %eq3A_370 = arith.constant 2 : i32
        %eq3A_371 = arith.cmpi eq, %select_n3A_369, %eq3A_370 : i32
        %select_n3A_372 = arith.constant 0 : i32
        %select_n3A_373 = arith.select %eq3A_371, %select_n3A_372, %select_n3A_369 : i32
        %add3A_374 = arith.constant 1 : i32
        %add3A_375 = arith.addi %scan3A_191, %add3A_374 : i32
        %select_n3A_376 = arith.select %eq3A_371, %add3A_375, %scan3A_191 : i32
        %eq3A_377 = arith.constant 24 : i32
        %eq3A_378 = arith.cmpi eq, %select_n3A_376, %eq3A_377 : i32
        %select_n3A_379 = arith.constant 0 : i32
        %select_n3A_380 = arith.select %eq3A_378, %select_n3A_379, %select_n3A_376 : i32
        scf.yield %select_n3A_264, %select_n3A_365, %select_n3A_327, %select_n3A_356, %select_n3A_380, %select_n3A_373 : i32, i32, i32, i32, i32, i32
      }
      %scan3A_99 = arith.constant 48 : i32
      %sub3A = arith.constant 1 : i32
      %sub3A_100 = arith.subi %scan3A_98#5, %sub3A : i32
      %select_n3A_101 = arith.constant true
      %select_n3A_102 = arith.select %select_n3A_101, %sub3A_100, %scan3A_98#5 : i32
      %eq3A_103 = arith.constant -1 : i32
      %eq3A_104 = arith.cmpi eq, %select_n3A_102, %eq3A_103 : i32
      %select_n3A_105 = arith.constant 1 : i32
      %select_n3A_106 = arith.select %eq3A_104, %select_n3A_105, %select_n3A_102 : i32
      %sub3A_107 = arith.constant 1 : i32
      %sub3A_108 = arith.subi %scan3A_98#4, %sub3A_107 : i32
      %select_n3A_109 = arith.select %eq3A_104, %sub3A_108, %scan3A_98#4 : i32
      %eq3A_110 = arith.constant -1 : i32
      %eq3A_111 = arith.cmpi eq, %select_n3A_109, %eq3A_110 : i32
      %select_n3A_112 = arith.constant 23 : i32
      %select_n3A_113 = arith.select %eq3A_111, %select_n3A_112, %select_n3A_109 : i32
      %add3A_114 = arith.addi %select_n3A_113, %mul3A_11 : i32
      %add3A_115 = arith.constant 0 : i32
      %add3A_116 = arith.addi %select_n3A_106, %add3A_115 : i32
      %sub3A_117 = arith.constant 1 : i32
      %sub3A_118 = arith.subi %select_n3A_106, %sub3A_117 : i32
      %select_n3A_119 = arith.constant true
      %select_n3A_120 = arith.select %select_n3A_119, %sub3A_118, %select_n3A_106 : i32
      %eq3A_121 = arith.constant -1 : i32
      %eq3A_122 = arith.cmpi eq, %select_n3A_120, %eq3A_121 : i32
      %select_n3A_123 = arith.constant 1 : i32
      %select_n3A_124 = arith.select %eq3A_122, %select_n3A_123, %select_n3A_120 : i32
      %sub3A_125 = arith.constant 1 : i32
      %sub3A_126 = arith.subi %select_n3A_113, %sub3A_125 : i32
      %select_n3A_127 = arith.select %eq3A_122, %sub3A_126, %select_n3A_113 : i32
      %eq3A_128 = arith.constant -1 : i32
      %eq3A_129 = arith.cmpi eq, %select_n3A_127, %eq3A_128 : i32
      %select_n3A_130 = arith.constant 23 : i32
      %select_n3A_131 = arith.select %eq3A_129, %select_n3A_130, %select_n3A_127 : i32
      %add3A_132 = arith.addi %select_n3A_131, %mul3A_11 : i32
      %add3A_133 = arith.constant 0 : i32
      %add3A_134 = arith.addi %select_n3A_124, %add3A_133 : i32
      %add3A_135 = arith.constant 1 : i32
      %add3A_136 = arith.addi %select_n3A_106, %add3A_135 : i32
      %select_n3A_137 = arith.constant true
      %select_n3A_138 = arith.select %select_n3A_137, %add3A_136, %select_n3A_106 : i32
      %eq3A_139 = arith.constant 2 : i32
      %eq3A_140 = arith.cmpi eq, %select_n3A_138, %eq3A_139 : i32
      %select_n3A_141 = arith.constant 0 : i32
      %select_n3A_142 = arith.select %eq3A_140, %select_n3A_141, %select_n3A_138 : i32
      %add3A_143 = arith.constant 1 : i32
      %add3A_144 = arith.addi %select_n3A_113, %add3A_143 : i32
      %select_n3A_145 = arith.select %eq3A_140, %add3A_144, %select_n3A_113 : i32
      %eq3A_146 = arith.constant 24 : i32
      %eq3A_147 = arith.cmpi eq, %select_n3A_145, %eq3A_146 : i32
      %select_n3A_148 = arith.constant 0 : i32
      %select_n3A_149 = arith.select %eq3A_147, %select_n3A_148, %select_n3A_145 : i32
      %add3A_150 = arith.addi %select_n3A_149, %mul3A_11 : i32
      %add3A_151 = arith.constant 0 : i32
      %add3A_152 = arith.addi %select_n3A_142, %add3A_151 : i32
      %add3A_153 = arith.constant 1 : i32
      %add3A_154 = arith.addi %select_n3A_142, %add3A_153 : i32
      %select_n3A_155 = arith.constant true
      %select_n3A_156 = arith.select %select_n3A_155, %add3A_154, %select_n3A_142 : i32
      %eq3A_157 = arith.constant 2 : i32
      %eq3A_158 = arith.cmpi eq, %select_n3A_156, %eq3A_157 : i32
      %select_n3A_159 = arith.constant 0 : i32
      %select_n3A_160 = arith.select %eq3A_158, %select_n3A_159, %select_n3A_156 : i32
      %add3A_161 = arith.constant 1 : i32
      %add3A_162 = arith.addi %select_n3A_149, %add3A_161 : i32
      %select_n3A_163 = arith.select %eq3A_158, %add3A_162, %select_n3A_149 : i32
      %eq3A_164 = arith.constant 24 : i32
      %eq3A_165 = arith.cmpi eq, %select_n3A_163, %eq3A_164 : i32
      %select_n3A_166 = arith.constant 0 : i32
      %select_n3A_167 = arith.select %eq3A_165, %select_n3A_166, %select_n3A_163 : i32
      %add3A_168 = arith.addi %select_n3A_167, %mul3A_11 : i32
      %add3A_169 = arith.constant 0 : i32
      %add3A_170 = arith.addi %select_n3A_160, %add3A_169 : i32
      "tpu.trace_start"() <{level = 10 : i32, message = "ep_finalize"}> : () -> ()
      %rem3A_171 = arith.constant 2 : i32
      %rem3A_172 = arith.remui %scan3A_98#3, %rem3A_171 : i32
      %mul3A_173 = arith.constant 16384 : i32
      %mul3A_174 = arith.muli %mul3A_173, %add3A_116 : i32
      %mul3A_175 = arith.constant 16384 : i32
      %mul3A_176 = arith.muli %rem3A_172, %mul3A_175 : i32
      %add3A_177 = arith.constant 0 : i32
      %add3A_178 = arith.addi %mul3A_176, %add3A_177 : i32
      %dma_wait3A = tpu.memref_slice %run_scoped3A_13[%add3A_178] : memref<32768xf32, #tpu.memory_space<vmem>> -> memref<16384xf32, #tpu.memory_space<vmem>>
      %dma_wait3A_179 = tpu.memref_slice %arg5[%add3A_114, %mul3A_174] : memref<2048x32768xf32, #tpu.memory_space<hbm>> -> memref<1x16384xf32, #tpu.memory_space<hbm>>
      %dma_wait3A_180 = tpu.memref_squeeze %dma_wait3A_179 : memref<1x16384xf32, #tpu.memory_space<hbm>> -> memref<16384xf32, #tpu.memory_space<hbm>>
      %dma_wait3A_181 = tpu.memref_slice %run_scoped3A_14[%rem3A_172] : memref<2x!tpu.dma_semaphore, #tpu.memory_space<semaphore_mem>> -> memref<1x!tpu.dma_semaphore, #tpu.memory_space<semaphore_mem>>
      %dma_wait3A_182 = tpu.memref_squeeze %dma_wait3A_181 : memref<1x!tpu.dma_semaphore, #tpu.memory_space<semaphore_mem>> -> memref<!tpu.dma_semaphore, #tpu.memory_space<semaphore_mem>>
      %dma_wait3A_183 = tpu.memref_slice %arg5[%add3A_114, %mul3A_174] : memref<2048x32768xf32, #tpu.memory_space<hbm>> -> memref<1x16384xf32, #tpu.memory_space<hbm>>
      %dma_wait3A_184 = tpu.memref_squeeze %dma_wait3A_183 : memref<1x16384xf32, #tpu.memory_space<hbm>> -> memref<16384xf32, #tpu.memory_space<hbm>>
      %dma_wait3A_185 = tpu.memref_slice %run_scoped3A_13[%add3A_178] : memref<32768xf32, #tpu.memory_space<vmem>> -> memref<16384xf32, #tpu.memory_space<vmem>>
      tpu.wait_dma2 semaphore(%dma_wait3A_182 : memref<!tpu.dma_semaphore, #tpu.memory_space<semaphore_mem>>) src(%dma_wait3A_185 : memref<16384xf32, #tpu.memory_space<vmem>>) dst(%dma_wait3A_184 : memref<16384xf32, #tpu.memory_space<hbm>>)
      "tpu.trace_stop"() : () -> ()
      tpu.yield
    }) : () -> ()
    return
  }
}

module attributes {stable_mosaic.version = 14 : i64} {
  func.func @_tc_ew_kernel(%arg0: i32, %arg1: memref<2048x32768xf32, #tpu.memory_space<any>>, %arg2: memref<1x1xf32, #tpu.memory_space<smem>>, %arg3: memref<1x1xf32, #tpu.memory_space<smem>>, %arg4: memref<1xf32, #tpu.memory_space<smem>>, %arg5: memref<1xf32, #tpu.memory_space<smem>>, %arg6: memref<64x32768xf32, #tpu.memory_space<vmem>>, %arg7: memref<64x32768xf32, #tpu.memory_space<vmem>>) attributes {dimension_semantics = [#tpu.dimension_semantics<arbitrary>], iteration_bounds = array<i64: 20>, scalar_prefetch = 0 : i64, scratch_operands = 0 : i64, tpu.core_type = #tpu.core_type<tc>, window_params = [{}, {transform_indices = @transform_1, window_bounds = array<i64: 1, 1>}, {transform_indices = @transform_2, window_bounds = array<i64: 1, 1>}, {transform_indices = @transform_3, window_bounds = array<i64: 1>}, {transform_indices = @transform_4, window_bounds = array<i64: 1>}, {transform_indices = @transform_5, window_bounds = array<i64: 64, 32768>}, {transform_indices = @transform_6, window_bounds = array<i64: 64, 32768>}]} {
    %get3A = arith.constant 0 : index
    %get3A_0 = arith.constant 0 : index
    %get3A_1 = memref.load %arg2[%get3A, %get3A_0] : memref<1x1xf32, #tpu.memory_space<smem>>
    %get3A_2 = arith.constant 0 : index
    %get3A_3 = memref.load %arg4[%get3A_2] : memref<1xf32, #tpu.memory_space<smem>>
    %mul3A = arith.mulf %get3A_1, %get3A_3 : f32
    %get3A_4 = arith.constant 0 : index
    %get3A_5 = arith.constant 0 : index
    %get3A_6 = memref.load %arg3[%get3A_4, %get3A_5] : memref<1x1xf32, #tpu.memory_space<smem>>
    %get3A_7 = arith.constant 0 : index
    %get3A_8 = memref.load %arg5[%get3A_7] : memref<1xf32, #tpu.memory_space<smem>>
    %mul3A_9 = arith.mulf %get3A_6, %get3A_8 : f32
    %get3A_10 = arith.constant 0 : index
    %get3A_11 = arith.constant 0 : index
    %get3A_12 = vector.load %arg6[%get3A_10, %get3A_11] : memref<64x32768xf32, #tpu.memory_space<vmem>>, vector<64x32768xf32>
    %lt3A = vector.broadcast %mul3A_9 : f32 to vector<64x32768xf32>
    %lt3A_13 = arith.cmpf olt, %get3A_12, %lt3A : vector<64x32768xf32>
    %mul3A_14 = vector.broadcast %mul3A : f32 to vector<64x32768xf32>
    %mul3A_15 = arith.mulf %get3A_12, %mul3A_14 : vector<64x32768xf32>
    %jit3A = arith.constant 0.000000e+00 : f32
    %broadcast_in_dim3A = vector.broadcast %jit3A : f32 to vector<64x32768xf32>
    %select_n3A = arith.select %lt3A_13, %broadcast_in_dim3A, %mul3A_15 : vector<64x32768xi1>, vector<64x32768xf32>
    %min3A = arith.constant 1.000000e+00 : f32
    %min3A_16 = vector.broadcast %min3A : f32 to vector<64x32768xf32>
    %min3A_17 = arith.minimumf %select_n3A, %min3A_16 : vector<64x32768xf32>
    %swap3A = arith.constant 0 : index
    %swap3A_18 = arith.constant 0 : index
    %swap3A_19 = vector.load %arg7[%swap3A, %swap3A_18] : memref<64x32768xf32, #tpu.memory_space<vmem>>, vector<64x32768xf32>
    tpu.vector_store %arg7[%swap3A, %swap3A_18], %min3A_17 {strides = array<i32>} : memref<64x32768xf32, #tpu.memory_space<vmem>>, vector<64x32768xf32>,
    return
  }
  func.func @transform_1(%arg0: i32) -> (i32, i32) {
    %c0_i32 = arith.constant 0 : i32
    %c0_i32_0 = arith.constant 0 : i32
    %c0_i32_1 = arith.constant 0 : i32
    return %c0_i32, %c0_i32_0 : i32, i32
  }
  func.func @transform_2(%arg0: i32) -> (i32, i32) {
    %c0_i32 = arith.constant 0 : i32
    %c0_i32_0 = arith.constant 0 : i32
    %c0_i32_1 = arith.constant 0 : i32
    return %c0_i32, %c0_i32_0 : i32, i32
  }
  func.func @transform_3(%arg0: i32) -> i32 {
    %c0_i32 = arith.constant 0 : i32
    %c0_i32_0 = arith.constant 0 : i32
    return %c0_i32 : i32
  }
  func.func @transform_4(%arg0: i32) -> i32 {
    %c0_i32 = arith.constant 0 : i32
    %c0_i32_0 = arith.constant 0 : i32
    return %c0_i32 : i32
  }
  func.func @transform_5(%arg0: i32) -> (i32, i32) {
    %add3A = arith.constant 12 : i32
    %add3A_0 = arith.addi %arg0, %add3A : i32
    %c0_i32 = arith.constant 0 : i32
    %c0_i32_1 = arith.constant 0 : i32
    return %add3A_0, %c0_i32 : i32, i32
  }
  func.func @transform_6(%arg0: i32) -> (i32, i32) {
    %add3A = arith.constant 12 : i32
    %add3A_0 = arith.addi %arg0, %add3A : i32
    %c0_i32 = arith.constant 0 : i32
    %c0_i32_1 = arith.constant 0 : i32
    return %add3A_0, %c0_i32 : i32, i32
  }
}

</mosaic_0001>

<sc_bundles>
// kernel: kernel.4.cloned.1.call-start
scs
__scs_entry_jumppad:
0x0: {  	(pc) =	sbr.rel $0x88, $3  }
0x1: {  	(tag) =	ssettag $0x0;
	lr =	simm.s32 $0x1  }
0x2: {  	[smem:$0x3F9C] =	sst lr;
	_ =	strace $0xD0000000  }
0x3: {  	_ = 	snop  }
0x4: {  	_ = 	snop  }
0x5: {  	_ = 	snop  }
0x6: {  	_ = 	snop  }
0x7: {  	_ = 	snop  }
__scs_overlays_trampoline_lowered:
0x8: {  	[smem:$0x3FAB] =	sst s0  }
0x9: {  	[smem:$0x3FAC] =	sst s1  }
0xa: {  	[smem:$0x3FAD] =	sst s2  }
0xb: {  	[smem:$0x3FAE] =	sst s3  }
0xc: {  	[smem:$0x3FAF] =	sst s4  }
0xd: {  	[smem:$0x3FB0] =	sst s5  }
0xe: {  	[smem:$0x3FB1] =	sst s6  }
0xf: {  	[smem:$0x3FB2] =	sst s7  }
0x10: {  	[smem:$0x3FB3] =	sst s8  }
0x11: {  	[smem:$0x3FB4] =	sst s9;
	s0 =	simm.s32 @!p0 $0x0  }
0x12: {  	s1 =	sld [smem:$0x3F9A];
	s0 =	simm.s32 @p0 $0x1  }
0x13: {  	[smem:$0x3FB5] =	sst s0;
	s0 =	simm.s32 @!p1 $0x0  }
0x14: {  	s2 =	sld [smem:$0x3F99];
	s0 =	simm.s32 @p1 $0x1  }
0x15: {  	[smem:$0x3FB6] =	sst s0;
	s0 =	simm.s32 @!p2 $0x0  }
0x16: {  	s3 =	sld [smem:$0x3FDB];
	s0 =	simm.s32 @p2 $0x1  }
0x17: {  	s4 =	simm.s32 $0x1BF5;
	[smem:$0x3FB8] =	sst s0  }
0x18: {  	s0 =	sld [smem:$0x3F9B];
	_ =	swait.ge [sflag:s4], $0x0  }
0x19: {  	s7 =	sld [smem:$0x3F9C]  }
0x1a: {  	s8 =	sadd.s32 $0xFFFFE003, lr  }
0x1b: {  	s9 =	sadd.s32 $0xFFFFFEF7, lr;
	s5 =	simm.s32 $0xFFFFFFFF;
	p2 =	slt.u32 s8, $0xFFFFF086  }
0x1c: {  	p1 =	slt.u32 s9, $0xF7A;
	s5 =	simm.s32 @!p2 $0x0  }
0x1d: {  	s5 =	simm.s32 @p1 $0x1;
	p0 =	seq.s32 s7, s2  }
0x1e: {  	s7 =	smul.u32 @!p0 $0xF7A, s2;
	p2 =	seq.s32 @!p0 s5, $0x0  }
0x1f: {  	s9 =	smul.u32 $0xF7A, s1;
	s8 =	simm.s32 @!p0 $0x1BF5;
	p2 =	por !p2, p0  }
0x20: {  	[sflag:s8] =	ssyncset.s32 @!p0 $0xFFFFF086;
	s6 =	sadd.s32 @!p0 s3, s7;
	s7 =	simm.s32 @!p0 $0x108  }
0x21: {  	s3 =	sadd.s32 s3, s9;
	s6 =	sadd.s32 @!p0 $0x88, s6;
	s7 =	simm.s32 @p2 $0x1082  }
0x22: {  	[simem:s7], [sflag:s8] =	dma.local @!p0 [hbm:s6], $0xF7A  }
0x23: {  	s9 =	sor.u32 $0xD0000000, s2;
	s6 =	simm.s32 $0x108;
	_ =	swait.ge @!p0 [sflag:s8], $0x0  }
0x24: {  	s3 =	sadd.s32 $0x88, s3;
	s6 =	simm.s32 @!p1 $0x1082;
	[sflag:s4] =	ssyncset.s32 $0xFFFFF086  }
0x25: {  	[simem:s6], [sflag:s4] =	dma.local [hbm:s3], $0xF7A  }
0x26: {  	[smem:$0x3F9C] =	sst s1;
	(tag) =	ssettag s2;
	_ =	strace s9  }
0x27: {  	s1 =	sld [smem:$0x3FAC]  }
0x28: {  	s2 =	sld [smem:$0x3FAD]  }
0x29: {  	s4 =	sld [smem:$0x3FAF]  }
0x2a: {  	p0 =	seq.s32 s5, $0x0;
	s5 =	sld [smem:$0x3FB0]  }
0x2b: {  	s6 =	sld [smem:$0x3FB1]  }
0x2c: {  	s7 =	sld [smem:$0x3FB2]  }
0x2d: {  	s3 =	simm.s32 $0x108;
	s8 =	sld [smem:$0x3FB3]  }
0x2e: {  	s3 =	simm.s32 @!p0 $0x1082;
	s9 =	sld [smem:$0x3FB4]  }
0x2f: {  	lr =	sadd.s32 s0, s3;
	s0 =	sld [smem:$0x3FAB]  }
0x30: {  	s3 =	sld [smem:$0x3FAE]  }
0x31: {  	[smem:$0x3FB7] =	sst s10  }
0x32: {  	s10 =	sld [smem:$0x3FB5];
	_ =	sdelay $0x3  }
0x33: {  	p0 =	seq.s32 s10, $0x1;
	s10 =	sld [smem:$0x3FB7];
	_ =	sdelay $0x3  }
0x34: {  	[smem:$0x3FB7] =	sst s10  }
0x35: {  	s10 =	sld [smem:$0x3FB6];
	_ =	sdelay $0x3  }
0x36: {  	p1 =	seq.s32 s10, $0x1;
	s10 =	sld [smem:$0x3FB7];
	_ =	sdelay $0x3  }
0x37: {  	[smem:$0x3FB7] =	sst s10  }
0x38: {  	s10 =	sld [smem:$0x3FB8]  }
0x39: {  	_ = 	snop;
	(pc) =	sbr.ind lr, $3  }
0x3a: {  	_ = 	snop  }
0x3b: {  	_ = 	snop  }
0x3c: {  	p2 =	seq.s32 s10, $0x1;
	s10 =	sld [smem:$0x3FB7]  }
0x3d: {  	_ =	shalt  }
0x3e: {  	_ =	shalt  }
0x3f: {  	_ =	shalt  }
0x40: {  	_ =	shalt  }
0x41: {  	_ =	shalt  }
0x42: {  	_ =	shalt  }
0x43: {  	_ =	shalt  }
0x44: {  	_ =	shalt  }
0x45: {  	_ =	shalt  }
0x46: {  	_ =	shalt  }
0x47: {  	_ =	shalt  }
0x48: {  	_ =	shalt  }
0x49: {  	_ =	shalt  }
0x4a: {  	_ =	shalt  }
0x4b: {  	_ =	shalt  }
0x4c: {  	_ =	shalt  }
0x4d: {  	_ =	shalt  }
0x4e: {  	_ =	shalt  }
0x4f: {  	_ =	shalt  }
0x50: {  	_ =	shalt  }
0x51: {  	_ =	shalt  }
0x52: {  	_ =	shalt  }
0x53: {  	_ =	shalt  }
0x54: {  	_ =	shalt  }
0x55: {  	_ =	shalt  }
0x56: {  	_ =	shalt  }
0x57: {  	_ =	shalt  }
0x58: {  	_ =	shalt  }
0x59: {  	_ =	shalt  }
0x5a: {  	_ =	shalt  }
0x5b: {  	_ =	shalt  }
0x5c: {  	_ =	shalt  }
0x5d: {  	_ =	shalt  }
0x5e: {  	_ =	shalt  }
0x5f: {  	_ =	shalt  }
0x60: {  	_ =	shalt  }
0x61: {  	_ =	shalt  }
0x62: {  	_ =	shalt  }
0x63: {  	_ =	shalt  }
0x64: {  	_ =	shalt  }
0x65: {  	_ =	shalt  }
0x66: {  	_ =	shalt  }
0x67: {  	_ =	shalt  }
0x68: {  	_ =	shalt  }
0x69: {  	_ =	shalt  }
0x6a: {  	_ =	shalt  }
0x6b: {  	_ =	shalt  }
0x6c: {  	_ =	shalt  }
0x6d: {  	_ =	shalt  }
0x6e: {  	_ =	shalt  }
0x6f: {  	_ =	shalt  }
0x70: {  	_ =	shalt  }
0x71: {  	_ =	shalt  }
0x72: {  	_ =	shalt  }
0x73: {  	_ =	shalt  }
0x74: {  	_ =	shalt  }
0x75: {  	_ =	shalt  }
0x76: {  	_ =	shalt  }
0x77: {  	_ =	shalt  }
0x78: {  	_ =	shalt  }
0x79: {  	_ =	shalt  }
0x7a: {  	_ =	shalt  }
0x7b: {  	_ =	shalt  }
0x7c: {  	_ =	shalt  }
0x7d: {  	_ =	shalt  }
0x7e: {  	_ =	shalt  }
0x7f: {  	_ =	shalt  }
0x80: {  	_ =	shalt  }
0x81: {  	_ =	shalt  }
0x82: {  	_ =	shalt  }
0x83: {  	_ =	shalt  }
0x84: {  	_ =	shalt  }
0x85: {  	_ =	shalt  }
0x86: {  	_ =	shalt  }
0x87: {  	_ =	shalt  }
.Lfunc_end0:
.L_simem_size_0:
called_computation_lowered:
.L_overlay_start_0:
0x88: {  	s2 =	sld [smem:$0x3FD9]  }
0x89: {  	s3 =	sld [smem:$0x3FFE];
	_ =	sdelay $0x1  }
0x8a: {  	s1 =	srdreg.scid  }
0x8b: {  	s0 =	sand.u32 $0x1, s1  }
0x8c: {  	s17 =	sshll.u32 s0, $0xA;
	s2 =	sadd.s32 s3, s2  }
0x8d: {  	s2 =	sadd.s32 s2, s17  }
0x8e: {  	[smem:$0x3FC3] =	sst s2  }
0x8f: {  	_ = 	snop  }
0x90: {  	s2 =	sld [smem:$0x3FC9]  }
0x91: {  	s18 =	sld [smem:$0x3FD0];
	(tm) =	ssettm $0x1  }
0x92: {  	s4 =	sld [smem:$0x3FFB];
	_ =	sdelay $0x3  }
0x93: {  	_ =	strace s4  }
0x94: {  	s4 =	sld [smem:$0x3FFC];
	_ =	sdelay $0x3  }
0x95: {  	_ =	strace s4  }
0x96: {  	s4 =	sld [smem:$0x3FFD];
	_ =	sdelay $0x3  }
0x97: {  	_ =	strace s4  }
0x98: {  	_ =	strace $0x8FFFFFFF  }
0x99: {  	s19 =	sld [smem:$0x3FDB];
	_ =	sdelay $0x1  }
0x9a: {  	s5 =	simm.s32 $_scs_section_size  }
0x9b: {  	s6 =	simm.s32 $_size__tile_overlayer_lowered;
	s7 =	simm.s32 $_tile_overlayer_lowered  }
0x9c: {  	s22 =	simm.s32 $0x1BFF;
	s21 =	sshll.u32 s7, $0x1;
	s4 =	sadd.s32 s5, s19  }
0x9d: {  	s8 =	simm.s32 $0x0;
	s20 =	sshll.u32 s6, $0x1;
	s6 =	sadd.s32 s21, s4  }
0x9e: {  	[timem:s8], [sflag:s22] =	dma.local [hbm:s6], s20  }
0x9f: {  	_ =	swait.ge [sflag:s22], s20  }
0xa0: {  	s5 =	ssub.s32 $0x0, s20;
	[sflag:s22] =	ssyncset.done $0x0  }
0xa1: {  	[sflag:s22] =	ssyncadd.s32 s5;
	_ =	sdelay $0x1  }
0xa2: {  	s23 =	simm.s32 $0x1B8B  }
0xa3: {  	_ =	swait.ge [sflag:s23], $0x1  }
0xa4: {  	[sflag:s23] =	ssyncset.done $0x0  }
0xa5: {  	s25 =	simm.s32 $0x1B8E;
	s24 =	sld [smem:$0x3FFE];
	[sflag:s23] =	ssyncadd.s32 $0xFFFFFFFF  }
0xa6: {  	s26 =	simm.s32 $execute0_lowered;
	[smem:$0x3FD2] =	sst s25  }
0xa7: {  	s6 =	sshll.u32 s26, $0x1;
	_ =	strace $0x80000046;
	[dreg:$0x1] =	wrdreg $0xFFFFFFFF  }
0xa8: {  	s28 =	simm.s32 $_size_execute0_lowered;
	s4 =	sadd.s32 s4, s6;
	[dreg:$0x0] =	wrdreg $0x0  }
0xa9: {  	s6 =	sshll.u32 s28, $0x1;
	[dreg:$0x2] =	wrdreg s4  }
0xaa: {  	[dreg:$0x3] =	wrdreg s6  }
0xab: {  	[dreg:$0x4] =	wrdreg $0xC0  }
0xac: {  	_ =	task [dreg:s8], $0x5FFFF  }
0xad: {  	[dreg:$0x1] =	wrdreg $0xFFFFFFFF  }
0xae: {  	[dreg:$0x0] =	wrdreg $0x60  }
0xaf: {  	[dreg:$0x2] =	wrdreg s24  }
0xb0: {  	[dreg:$0x3] =	wrdreg s2  }
0xb1: {  	[dreg:$0x4] =	wrdreg s18  }
0xb2: {  	[dreg:$0x5] =	wrdreg $0x9  }
0xb3: {  	_ =	task.clear_ibuf [dreg:s8], $0x6FFFF;
	_ =	strace $0x90000046  }
0xb4: {  	s29 =	simm.s32 $0x9;
	_ =	strace $0x8000004F  }
0xb5: {  	_ =	swait.ge [sflag:s29], $0x1  }
0xb6: {  	[sflag:s29] =	ssyncadd.s32 $0xFFFFFFFF  }
0xb7: {  	_ =	strace $0x9000004F  }
0xb8: {  	_ =	sfence  }
0xb9: {  	s30 =	sld [smem:$0x0];
	_ =	sdelay $0x2  }
0xba: {  	s31 =	sshll.u32 s1, $0xD;
	s1 =	sshrl.u32 s1, $0x2  }
0xbb: {  	s3 =	sand.u32 $0x4000, s31;
	s1 =	sadd.s32 s1, s30  }
0xbc: {  	s0 =	sor.u32 s3, s0;
	s1 =	sshll.u32 s1, $0x11  }
0xbd: {  	s0 =	sor.u32 s1, s0  }
0xbe: {  	s0 =	sadd.s32 $0x8F2B, s0  }
0xbf: {  	[sflag:s0] =	ssyncadd.remote.s32 $0x1  }
0xc0: {  	_ =	sfence.sel $0xFFFF  }
0xc1: {  	[dreg:$0x0] =	wrdreg $0xFFFFFFFF;
	(pc) =	sbr.abs _section_cstart, $3  }
0xc2: {  	[dreg:$0x1] =	wrdreg $0xFFFFFFFF  }
0xc3: {  	_ =	task.clear_ibuf [dreg:s8], $0x2FFFF;
	_ =	strace $0x9FFFFFFF  }
0xc4: {  	(tm) =	ssettm $0x7FFFFFFF  }
0xc5: {  	_ =	shalt  }
tec
execute0_lowered:
.L_overlay_start_1:
0x0: {  	(tag) =	ssettag $0x1  }
0x1: {  	s0 =	rddreg [dreg:$0x0]  }
0x2: {  	s1 =	rddreg [dreg:$0x1]  }
0x3: {  	s2 =	rddreg [dreg:$0x2];
	s3 =	srdreg.scid;
	s4 =	simm.s32 $0x0  }
0x4: {  	s11 =	simm.s32 $0x400;
	s12 =	simm.s32 $0x100;
	s13 =	simm.s32 $0x1  }
0x5: {  	s14 =	simm.s32 $0x4;
	s15 =	simm.s32 $0x0;
	s5 =	sand.u32 $0x1, s3  }
0x6: {  	s3 =	stileid.u32;
	[smem:$0x7FF] =	sst s4;
	s6 =	sshll.u32 s5, $0x4  }
0x7: {  	s7 =	ssub.s32 $0x2, s5;
	_ =	strace $0x80000047;
	s8 =	sor.u32 s3, s6  }
0x8: {  	s5 =	sadd.s32 $0xC00, s0;
	s9 =	sshrl.u32 s7, $0x1;
	s10 =	smul.u32 $0x18000, s8  }
0x9: {  	s6 =	sadd.s32 $0xE00, s0;
	s31 =	ssub.s32 s7, s9;
	s7 =	smul.u32 $0x18, s8  }
0xa: {  	s9 =	smax.u32 s31, $0x1;
	s8 =	sadd.s32 s1, s10;
	s10 =	simm.s32 $0x80  }
.LBB2_1:
0xb: {  	[tilespmem:s4], [sflag:$0x1] =	stream.linear.gather [hbm4b:s5+s4], $0x80, $0x38;
	[tilespmem:$0x10100] =	vst v63  }
0xc: {  	_ =	swait.ge [sflag:s13], $0x80  }
0xd: {  	[sflag:s13] =	ssyncset.done $0x0  }
0xe: {  	[sflag:s13] =	ssyncadd.s32 $0xFFFFFF80  }
0xf: {  	[tilespmem:s10], [sflag:$0x1] =	stream.linear.gather [hbm4b:s6+s4], $0x80, $0x38;
	[tilespmem:$0x10100] =	vst v63  }
0x10: {  	_ =	swait.ge [sflag:s13], $0x80  }
0x11: {  	[sflag:s13] =	ssyncset.done $0x0  }
0x12: {  	[sflag:s13] =	ssyncadd.s32 $0xFFFFFF80  }
0x13: {  	s23 =	simm.s32 $0x0;
	s24 =	simm.s32 $0x0;
	s16 =	simm.s32 $0x0;
	v0 =	vld [tilespmem:$0x0]  }
0x14: {  	s17 =	simm.s32 $0x0;
	s18 =	simm.s32 $0x0;
	v1 =	vld [tilespmem:$0x80];
	_ =	strace $0x80000048  }
0x15: {  	[tilespmem:s12], [sflag:$0x1] =	stream.strided.gather [hbm4b:s8+s10], $0x4000, s11, s10, $0x200038;
	[tilespmem:$0x10100] =	vst v63  }
0x16: {  	s19 =	simm.s32 $0x1;
	s20 =	simm.s32 $0x0;
	_ =	strace $0x90000048  }
.LBB2_2:
0x17: {  	s21 =	sadd.s32 $0x1, s23  }
0x18: {  	s0 =	simm.s32 $0x1;
	p0 =	seq.s32 s21, $0x2  }
0x19: {  	s0 =	simm.s32 @!p0 $0x0  }
0x1a: {  	s22 =	sadd.s32 s0, s24  }
0x1b: {  	p1 =	seq.s32 s22, $0x18  }
0x1c: {  	s21 =	simm.s32 @p0 $0x0;
	s22 =	simm.s32 @p1 $0x0  }
0x1d: {  	p5 =	sne.s32 s23, s21;
	p4 =	sne.s32 s24, s22  }
0x1e: {  	p6 =	sne.s32 s20, $0x2F;
	p1 =	por p5, p4  }
0x1f: {  	p0 =	por !p6, !p1  }
0x20: {  	p0 =	por !p0, !p0  }
0x21: {  	s0 =	sadd.s32 @p0 s7, s22  }
0x22: {  	s0 =	sshll.u32 @p0 s0, $0xF  }
0x23: {  	s25 =	sshll.u32 @p0 s21, $0x11;
	s26 =	sshll.u32 @p0 s22, $0x7;
	s0 =	sand.u32 @p0 $0xFFFC0000, s0  }
0x24: {  	_ =	strace @p0 $0x80000049;
	s0 =	sadd.s32 @p0 s25, s0;
	s25 =	sand.u32 @p0 $0x380, s26  }
0x25: {  	s28 =	simm.s32 @p0 $0x80;
	s26 =	sand.u32 @p0 $0x1, s19;
	s0 =	sor.u32 @p0 s25, s0  }
0x26: {  	s29 =	simm.s32 @p0 $0x400;
	s25 =	sshll.u32 @p0 s26, $0xE;
	s0 =	sshrl.u32 @p0 s0, $0x3  }
0x27: {  	s26 =	sadd.s32 @p0 $0x1, s26;
	s25 =	sor.u32 @p0 $0x100, s25;
	s0 =	sadd.s32 @p0 s1, s0  }
0x28: {  	[tilespmem:s25], [sflag:s26] =	stream.strided.gather @p0 [hbm4b:s0+s28], $0x4000, s29, s28, $0x200038;
	[tilespmem:$0x10100] =	vst v63  }
0x29: {  	s0 =	sand.u32 $0x1, s18;
	_ =	strace @p0 $0x90000049  }
0x2a: {  	s26 =	sadd.s32 $0x1, s0;
	_ =	strace $0x8000004A  }
0x2b: {  	_ =	swait.ge [sflag:s26], $0x4000  }
0x2c: {  	[sflag:s26] =	ssyncset.done $0x0  }
0x2d: {  	[sflag:s26] =	ssyncadd.s32 $0xFFFFC000  }
0x2e: {  	s0 =	sshll.u32 s0, $0xE;
	_ =	strace $0x9000004A  }
0x2f: {  	s0 =	sor.u32 $0x180, s0;
	_ =	strace $0x8000004B  }
0x30: {  	v2 =	vld [tilespmem:s0+$0x70]  }
0x31: {  	v3 =	vld [tilespmem:s0+$0xFFFFFF90]  }
0x32: {  	v4 =	vld [tilespmem:s0+$0xFFFFFFA0]  }
0x33: {  	v5 =	vld [tilespmem:s0+$0xFFFFFFB0]  }
0x34: {  	v6 =	vld [tilespmem:s0+$0xFFFFFFC0]  }
0x35: {  	v7 =	vld [tilespmem:s0+$0xFFFFFFD0]  }
0x36: {  	v9 =	vld [tilespmem:s0+$0xFFFFFFE0]  }
0x37: {  	v11 =	vld [tilespmem:s0+$0xFFFFFFF0]  }
0x38: {  	v13 =	vld [tilespmem:s0+$0x0]  }
0x39: {  	v14 =	vld [tilespmem:s0+$0x20]  }
0x3a: {  	v16 =	vld [tilespmem:s0+$0x30]  }
0x3b: {  	v18 =	vld [tilespmem:s0+$0x50]  }
0x3c: {  	v17 =	vld [tilespmem:s0+$0x40];
	v8 =	vmul.f32 v2, v0;
	vm0 =	vlt.f32 v3, v1;
	v3 =	vmul.f32 v3, v0  }
0x3d: {  	v10 =	vmul.f32 v4, v0;
	vm1 =	vlt.f32 v2, v1;
	v12 =	vmul.f32 v5, v0  }
0x3e: {  	vm2 =	vlt.f32 v5, v1;
	vm3 =	vlt.f32 v6, v1;
	vm4 =	vlt.f32 v7, v1  }
0x3f: {  	v20 =	vld [tilespmem:s0+$0xFFFFFF80];
	vm5 =	vlt.f32 v9, v1;
	vm6 =	vlt.f32 v11, v1;
	vm7 =	vlt.f32 v13, v1  }
0x40: {  	vm9 =	vlt.f32 v14, v1;
	vm10 =	vlt.f32 v16, v1;
	v21 =	vmul.f32 v18, v0  }
0x41: {  	v19 =	vld [tilespmem:s0+$0x60];
	vm11 =	vlt.f32 v17, v1;
	v8 =	vmin.f32 v8, $1.000000000e+00;
	v2 =	vmin.f32 v3, $1.000000000e+00  }
0x42: {  	v3 =	vmin.f32 v10, $1.000000000e+00;
	v15 =	vsel vm1, $0x0, v8;
	v8 =	vmul.f32 v6, v0  }
0x43: {  	v10 =	vld [tilespmem:s0+$0x10];
	vm1 =	vlt.f32 v4, v1;
	v4 =	vmin.f32 v12, $1.000000000e+00;
	v12 =	vmul.f32 v7, v0  }
0x44: {  	vm14 =	vlt.f32 v20, v1;
	vm13 =	vlt.f32 v18, v1;
	v5 =	vmin.f32 v8, $1.000000000e+00  }
0x45: {  	v8 =	vmul.f32 v9, v0;
	v6 =	vmin.f32 v12, $1.000000000e+00;
	v12 =	vmul.f32 v11, v0  }
0x46: {  	vm12 =	vlt.f32 v19, v1;
	v9 =	vmul.f32 v13, v0;
	v13 =	vmul.f32 v16, v0  }
0x47: {  	v16 =	vmul.f32 v20, v0;
	v7 =	vmin.f32 v8, $1.000000000e+00;
	v8 =	vmin.f32 v12, $1.000000000e+00  }
0x48: {  	s25 =	sand.u32 $0x1, s17;
	v11 =	vmul.f32 v10, v0;
	v9 =	vmin.f32 v9, $1.000000000e+00;
	v12 =	vmul.f32 v14, v0  }
0x49: {  	s26 =	sshll.u32 s25, $0xE;
	vm8 =	vlt.f32 v10, v1;
	v14 =	vmul.f32 v17, v0;
	v17 =	vmul.f32 v19, v0  }
0x4a: {  	s31 =	simm.s32 $0x0;
	s28 =	sadd.s32 s7, s24;
	s30 =	sor.u32 $0x8180, s26;
	v10 =	vmin.f32 v11, $1.000000000e+00;
	v11 =	vmin.f32 v12, $1.000000000e+00;
	v12 =	vmin.f32 v13, $1.000000000e+00  }
0x4b: {  	s26 =	sor.u32 $0x8100, s26;
	s29 =	smov.u32 s30;
	s0 =	sadd.s32 $0x100, s0;
	[tilespmem:s30+$0x70] =	vst v15;
	v13 =	vmin.f32 v14, $1.000000000e+00;
	v14 =	vmin.f32 v21, $1.000000000e+00;
	v15 =	vmin.f32 v17, $1.000000000e+00  }
.LBB2_3:
0x4c: {  	v17 =	vld [tilespmem:s0+$0x70];
	s31 =	sadd.s32 $0x100, s31;
	v16 =	vmin.f32 v16, $1.000000000e+00;
	v2 =	vsel vm0, $0x0, v2;
	v3 =	vsel vm1, $0x0, v3  }
0x4d: {  	v18 =	vld [tilespmem:s0+$0xFFFFFF90];
	p2 =	slt.u32 s31, $0x3F00;
	v16 =	vsel vm14, $0x0, v16;
	[tilespmem:s30+$0xFFFFFF90] =	vst v2;
	v2 =	vsel vm2, $0x0, v4;
	v4 =	vsel vm3, $0x0, v5  }
0x4e: {  	v6 =	vsel vm4, $0x0, v6;
	v7 =	vsel vm5, $0x0, v7;
	v8 =	vsel vm6, $0x0, v8;
	v5 =	vld [tilespmem:s0+$0xFFFFFFA0];
	[tilespmem:s30+$0xFFFFFF80] =	vst v16  }
0x4f: {  	v9 =	vsel vm7, $0x0, v9;
	v10 =	vsel vm8, $0x0, v10;
	v11 =	vsel vm9, $0x0, v11;
	v16 =	vld [tilespmem:s0+$0xFFFFFFB0];
	[tilespmem:s30+$0xFFFFFFA0] =	vst v3  }
0x50: {  	v12 =	vsel vm10, $0x0, v12;
	v13 =	vsel vm11, $0x0, v13;
	v14 =	vsel vm13, $0x0, v14;
	v19 =	vld [tilespmem:s0+$0xFFFFFFC0];
	[tilespmem:s30+$0xFFFFFFB0] =	vst v2  }
0x51: {  	v15 =	vsel vm12, $0x0, v15;
	v20 =	vld [tilespmem:s0+$0xFFFFFFD0];
	v2 =	vmul.f32 v17, v0;
	[tilespmem:s30+$0xFFFFFFC0] =	vst v4  }
0x52: {  	vm0 =	vlt.f32 v18, v1;
	v3 =	vmul.f32 v18, v0;
	v18 =	vld [tilespmem:s0+$0xFFFFFFE0];
	[tilespmem:s30+$0xFFFFFFD0] =	vst v6  }
0x53: {  	vm1 =	vlt.f32 v17, v1;
	v4 =	vmul.f32 v5, v0;
	v21 =	vld [tilespmem:s0+$0xFFFFFFF0];
	v6 =	vmin.f32 v2, $1.000000000e+00;
	[tilespmem:s30+$0xFFFFFFE0] =	vst v7  }
0x54: {  	s30 =	sadd.s32 $0x100, s30;
	v2 =	vmin.f32 v3, $1.000000000e+00;
	v7 =	vmul.f32 v16, v0;
	v17 =	vld [tilespmem:s0+$0x0];
	v6 =	vsel vm1, $0x0, v6;
	[tilespmem:s29+$0xFFFFFFF0] =	vst v8  }
0x55: {  	vm1 =	vlt.f32 v5, v1;
	v3 =	vmin.f32 v4, $1.000000000e+00;
	v5 =	vmul.f32 v19, v0;
	v22 =	vld [tilespmem:s0+$0x10];
	[tilespmem:s30+$0x70] =	vst v6  }
0x56: {  	vm2 =	vlt.f32 v16, v1;
	v4 =	vmin.f32 v7, $1.000000000e+00;
	v6 =	vmul.f32 v20, v0;
	v16 =	vld [tilespmem:s0+$0x20];
	[tilespmem:s29+$0x0] =	vst v9  }
0x57: {  	vm3 =	vlt.f32 v19, v1;
	v5 =	vmin.f32 v5, $1.000000000e+00;
	v7 =	vmul.f32 v18, v0;
	v19 =	vld [tilespmem:s0+$0x30];
	[tilespmem:s29+$0x10] =	vst v10  }
0x58: {  	vm4 =	vlt.f32 v20, v1;
	v6 =	vmin.f32 v6, $1.000000000e+00;
	v8 =	vmul.f32 v21, v0;
	v20 =	vld [tilespmem:s0+$0x40];
	[tilespmem:s29+$0x20] =	vst v11  }
0x59: {  	vm5 =	vlt.f32 v18, v1;
	v7 =	vmin.f32 v7, $1.000000000e+00;
	v9 =	vmul.f32 v17, v0;
	v18 =	vld [tilespmem:s0+$0x50];
	[tilespmem:s29+$0x30] =	vst v12  }
0x5a: {  	vm6 =	vlt.f32 v21, v1;
	v8 =	vmin.f32 v8, $1.000000000e+00;
	v10 =	vmul.f32 v22, v0;
	v21 =	vld [tilespmem:s0+$0x60];
	[tilespmem:s29+$0x40] =	vst v13  }
0x5b: {  	vm7 =	vlt.f32 v17, v1;
	v23 =	vld [tilespmem:s0+$0xFFFFFF80];
	v9 =	vmin.f32 v9, $1.000000000e+00;
	v11 =	vmul.f32 v16, v0;
	[tilespmem:s29+$0x50] =	vst v14  }
0x5c: {  	vm8 =	vlt.f32 v22, v1;
	v10 =	vmin.f32 v10, $1.000000000e+00;
	v12 =	vmul.f32 v19, v0;
	[tilespmem:s29+$0x60] =	vst v15;
	s29 =	smov.u32 s30  }
.Ltmp0:
0x5d: {  	vm9 =	vlt.f32 v16, v1;
	v11 =	vmin.f32 v11, $1.000000000e+00;
	v13 =	vmul.f32 v20, v0;
	(pc) =	sbr.rel @p2 .LBB2_3-.Ltmp0, $4  }
0x5e: {  	vm10 =	vlt.f32 v19, v1;
	v12 =	vmin.f32 v12, $1.000000000e+00;
	v14 =	vmul.f32 v18, v0  }
0x5f: {  	vm11 =	vlt.f32 v20, v1;
	v13 =	vmin.f32 v13, $1.000000000e+00;
	v15 =	vmul.f32 v21, v0  }
0x60: {  	vm14 =	vlt.f32 v23, v1;
	v16 =	vmul.f32 v23, v0;
	v14 =	vmin.f32 v14, $1.000000000e+00  }
0x61: {  	s0 =	sadd.s32 $0x100, s0;
	vm13 =	vlt.f32 v18, v1;
	vm12 =	vlt.f32 v21, v1;
	v15 =	vmin.f32 v15, $1.000000000e+00  }
0x62: {  	v16 =	vmin.f32 v16, $1.000000000e+00;
	v2 =	vsel vm0, $0x0, v2  }
0x63: {  	v16 =	vsel vm14, $0x0, v16;
	[tilespmem:s30+$0xFFFFFF90] =	vst v2  }
0x64: {  	v2 =	vsel vm1, $0x0, v3;
	[tilespmem:s30+$0xFFFFFF80] =	vst v16  }
0x65: {  	v3 =	vsel vm2, $0x0, v4;
	[tilespmem:s30+$0xFFFFFFA0] =	vst v2  }
0x66: {  	v2 =	vsel vm3, $0x0, v5;
	[tilespmem:s30+$0xFFFFFFB0] =	vst v3  }
0x67: {  	v3 =	vsel vm4, $0x0, v6;
	[tilespmem:s30+$0xFFFFFFC0] =	vst v2  }
0x68: {  	v2 =	vsel vm5, $0x0, v7;
	[tilespmem:s30+$0xFFFFFFD0] =	vst v3  }
0x69: {  	v3 =	vsel vm6, $0x0, v8;
	[tilespmem:s30+$0xFFFFFFE0] =	vst v2  }
0x6a: {  	v2 =	vsel vm7, $0x0, v9;
	[tilespmem:s29+$0xFFFFFFF0] =	vst v3  }
0x6b: {  	v3 =	vsel vm8, $0x0, v10;
	[tilespmem:s29+$0x0] =	vst v2  }
0x6c: {  	p2 =	seq.s32 s20, $0x2F;
	v2 =	vsel vm9, $0x0, v11;
	[tilespmem:s29+$0x10] =	vst v3  }
0x6d: {  	p1 =	por p2, p1;
	v3 =	vsel vm10, $0x0, v12;
	[tilespmem:s29+$0x20] =	vst v2  }
0x6e: {  	s0 =	sshll.u32 @p1 s28, $0xF;
	s23 =	sshll.u32 @p1 s23, $0x11;
	v2 =	vsel vm11, $0x0, v13;
	[tilespmem:s29+$0x30] =	vst v3  }
0x6f: {  	s24 =	sshll.u32 @p1 s24, $0x7;
	s28 =	simm.s32 $0x1;
	s0 =	sand.u32 @p1 $0xFFFC0000, s0;
	v3 =	vsel vm13, $0x0, v14;
	[tilespmem:s29+$0x40] =	vst v2  }
0x70: {  	s28 =	simm.s32 @!p0 $0x0;
	s0 =	sadd.s32 @p1 s23, s0;
	s23 =	sand.u32 @p1 $0x380, s24;
	v2 =	vsel vm12, $0x0, v15;
	[tilespmem:s29+$0x50] =	vst v3  }
0x71: {  	p0 =	seq.s32 s20, $0x0;
	s24 =	simm.s32 @p1 $0x80;
	s0 =	sor.u32 @p1 s23, s0;
	[tilespmem:s29+$0x60] =	vst v2  }
0x72: {  	s23 =	sadd.s32 @p1 $0x3, s25;
	s0 =	sshrl.u32 @p1 s0, $0x3;
	_ =	strace $0x9000004B  }
0x73: {  	s25 =	simm.s32 @p1 $0x400;
	s0 =	sadd.s32 @p1 s2, s0;
	_ =	strace @p1 $0x8000004C  }
0x74: {  	[hbm4b:s0+s24] =	stream.strided.scatter @p1 [tilespmem:s26], [sflag:s23], $0x4000, s25, s24, $0x200038;
	[tilespmem:$0x10100] =	vst v63  }
0x75: {  	s0 =	simm.s32 $0x1;
	s24 =	simm.s32 $0x1;
	_ =	strace @p1 $0x9000004C  }
0x76: {  	s0 =	simm.s32 @!p1 $0x0;
	p1 =	sne.s32 s20, $0x0;
	s20 =	sadd.s32 $0x1, s20  }
0x77: {  	s23 =	sand.u32 @!p0 $0x1, s16;
	s24 =	simm.s32 @!p1 $0x0;
	p1 =	sne.s32 s20, $0x30  }
.Ltmp1:
0x78: {  	s23 =	sadd.s32 @!p0 $0x3, s23;
	_ =	strace @!p0 $0x8000004D;
	(pc) =	sbr.rel @p1 .LBB2_2-.Ltmp1, $4  }
0x79: {  	_ =	swait.ge @!p0 [sflag:s23], $0x4000  }
0x7a: {  	s19 =	sadd.s32 s28, s19;
	s17 =	sadd.s32 s0, s17;
	[sflag:s23] =	ssyncset.done @!p0 $0x0  }
0x7b: {  	s18 =	sadd.s32 s0, s18;
	s16 =	sadd.s32 s24, s16;
	[sflag:s23] =	ssyncadd.s32 @!p0 $0xFFFFC000  }
0x7c: {  	s24 =	smov.u32 s22;
	s23 =	smov.u32 s21;
	_ =	strace @!p0 $0x9000004D  }
0x7d: {  	s15 =	sadd.s32 $0x1, s15  }
0x7e: {  	p0 =	sne.s32 s15, s9  }
.Ltmp2:
0x7f: {  	_ =	strace $0x8000004E;
	(pc) =	sbr.rel @p0 .LBB2_1-.Ltmp2, $4  }
0x80: {  	_ =	swait.ge [sflag:s14], $0x4000  }
0x81: {  	[sflag:s14] =	ssyncset.done $0x0  }
0x82: {  	[sflag:s14] =	ssyncadd.s32 $0xFFFFC000  }
0x83: {  	_ =	strace $0x9000004E  }
0x84: {  	_ =	sfence.sel $0x180000  }
0x85: {  	[bflag:$0x0] =	sbarrier.arrive $0xFFFF  }
0x86: {  	_ =	strace $0x90000047  }
0x87: {  	[bflag:$0x2] =	sbarrier.arrive $0xFFFF  }
0x88: {  	p0 =	sne.s32 s3, $0x0;
	s0 =	rddreg [dreg:$0x3]  }
0x89: {  	s0 =	sadd.s32 @!p0 $0x100000, s0  }
0x8a: {  	[sflag:s0] =	ssyncadd.tile.s32 @!p0 $0x1;
	_ =	shalt  }
.Lfunc_end2:
_tile_overlayer_lowered:
.L_overlay_start_2:
0x8b: {  	(tag) =	ssettag $0x2  }
0x8c: {  	s0 =	rddreg [dreg:$0x0];
	s2 =	stileid.u32  }
0x8d: {  	s1 =	rddreg [dreg:$0x1];
	p0 =	sne.s32 s2, $0x0  }
0x8e: {  	s3 =	rddreg [dreg:$0x2];
	[bflag:$0x3] =	sbarrier.arrive $0xFFFF;
	s2 =	simm.s32 @!p0 $0x1C01  }
0x8f: {  	[timem:s3], [sflag:s2] =	dma.local @!p0 [hbm:s0], s1  }
0x90: {  	s0 =	simm.s32 @!p0 $0x1  }
0x91: {  	_ =	swait.ge @!p0 [sflag:s0], s1  }
0x92: {  	s1 =	ssub.s32 @!p0 $0x0, s1;
	[sflag:s0] =	ssyncset.done @!p0 $0x0  }
0x93: {  	[sflag:s0] =	ssyncadd.s32 @!p0 s1  }
0x94: {  	[bflag:$0x3] =	sbarrier.arrive $0xFFFF  }
0x95: {  	_ =	shalt  }

</sc_bundles>
